<compile_context>
chip_gen: v7x
topology: tpu7x:2x2x1
jax: 0.10.2.dev20260603
libtpu: 0.0.44.dev20260713+nightly
codegen_flags: <defaults>
</compile_context>

<pallas_src>
import functools

import jax
import jax.numpy as jnp
from jax.experimental import pallas as pl
from jax.experimental.pallas import tpu as pltpu
from jax.experimental.pallas import tpu_sc as plsc

_D = 128
_B = 16
_K = 8
_HIGH = jax.lax.Precision.HIGHEST


def _row_tile(n):
    for t in (400, 200, 100, 50, 8):
        if n % t == 0:
            return t
    return n


def _prep_body(x_ref, wa_ref, wb_ref, b1_ref, xn_ref, z_ref, u_ref, sq_ref):
    x = x_ref[...]
    nrm = jnp.sqrt(jnp.sum(x * x, axis=1, keepdims=True))
    xn = x / jnp.clip(nrm, 1e-12, None)
    xn_ref[...] = xn
    sq_ref[...] = jnp.sum(xn * xn, axis=1, keepdims=True)
    z_ref[...] = jnp.dot(xn, wb_ref[...],
                         preferred_element_type=jnp.float32)
    u_ref[...] = jnp.dot(xn, wa_ref[...] - wb_ref[...],
                         preferred_element_type=jnp.float32) + b1_ref[...]


def _prep(x, w1, b1, t):
    n, d = x.shape
    grid = n // t
    return pl.pallas_call(
        _prep_body,
        grid=(grid,),
        in_specs=[
            pl.BlockSpec((t, d), lambda i: (i, 0)),
            pl.BlockSpec((d, d), lambda i: (0, 0)),
            pl.BlockSpec((d, d), lambda i: (0, 0)),
            pl.BlockSpec((1, d), lambda i: (0, 0)),
        ],
        out_specs=[
            pl.BlockSpec((t, d), lambda i: (i, 0)),
            pl.BlockSpec((t, d), lambda i: (i, 0)),
            pl.BlockSpec((t, d), lambda i: (i, 0)),
            pl.BlockSpec((t, 1), lambda i: (i, 0)),
        ],
        out_shape=[jax.ShapeDtypeStruct((n, d), jnp.float32)] * 3
        + [jax.ShapeDtypeStruct((n, 1), jnp.float32)],
    )(x, w1[:d], w1[d:], b1.reshape(1, d))


_BIGID = 16777216.0


def _knn_body(lohi_ref, xt_ref, rb_ref, xc_ref, bc_ref, sqc_ref, idx_ref,
              *, t, c):
    i = pl.program_id(0)
    xi = xt_ref[...]
    rb = rb_ref[...]
    sqi = jnp.sum(xi * xi, axis=1, keepdims=True)
    c0 = lohi_ref[0, i]
    c1 = lohi_ref[1, i]

    def chunk(ci, carry):
        vals, ids = carry
        xc = xc_ref[ci]
        bc = bc_ref[ci]
        dp = jax.lax.dot_general(xi, xc, (((1,), (1,)), ((), ())),
                                 preferred_element_type=jnp.float32)
        d2 = sqi + sqc_ref[ci] - 2.0 * dp
        d2 = d2 + jnp.where(rb != bc, jnp.float32(1e10), jnp.float32(0.0))
        cols = ((ci * c).astype(jnp.float32)
                + jax.lax.broadcasted_iota(jnp.int32, d2.shape, 1)
                .astype(jnp.float32))
        av = jnp.concatenate([vals, d2], axis=1)
        ai = jnp.concatenate([ids, cols], axis=1)
        vs, js = [], []
        for _ in range(_K):
            m = jnp.min(av, axis=1, keepdims=True)
            sel = jnp.min(jnp.where(av == m, ai, jnp.float32(_BIGID)),
                          axis=1, keepdims=True)
            vs.append(m)
            js.append(sel)
            av = jnp.where(ai == sel, jnp.float32(jnp.inf), av)
        return jnp.concatenate(vs, axis=1), jnp.concatenate(js, axis=1)

    init = (jnp.full((t, _K), jnp.inf, jnp.float32),
            jnp.zeros((t, _K), jnp.float32))
    _, ids = jax.lax.fori_loop(c0, c1, chunk, init)
    idx_ref[...] = ids.astype(jnp.int32)


def _knn(lohi, xn, rb2, xc3, bc3, sqc3, t, c):
    n, d = xn.shape
    nc = xc3.shape[0]
    grid_spec = pltpu.PrefetchScalarGridSpec(
        num_scalar_prefetch=1,
        grid=(n // t,),
        in_specs=[
            pl.BlockSpec((t, d), lambda i, s: (i, 0)),
            pl.BlockSpec((t, 1), lambda i, s: (i, 0)),
            pl.BlockSpec((nc, c, d), lambda i, s: (0, 0, 0)),
            pl.BlockSpec((nc, 1, c), lambda i, s: (0, 0, 0)),
            pl.BlockSpec((nc, 1, c), lambda i, s: (0, 0, 0)),
        ],
        out_specs=pl.BlockSpec((t, _K), lambda i, s: (i, 0)),
    )
    return pl.pallas_call(
        functools.partial(_knn_body, t=t, c=c),
        grid_spec=grid_spec,
        out_shape=jax.ShapeDtypeStruct((n, _K), jnp.int32),
    )(lohi, xn, rb2, xc3, bc3, sqc3)


def _sc_gather(z, idx_flat, gw):
    edge = idx_flat.shape[1]
    d = z.shape[1]
    mesh = plsc.VectorSubcoreMesh(core_axis_name="core",
                                  subcore_axis_name="subcore")

    @pl.kernel(out_type=jax.ShapeDtypeStruct((edge, d), jnp.float32),
               mesh=mesh)
    def gather_kernel(z_hbm, i_hbm, o_hbm):
        def body(i_vmem, o_vmem):
            pltpu.sync_copy(z_hbm.at[i_vmem.at[0]], o_vmem)

        pltpu.emit_pipeline(
            body,
            grid=(edge // gw,),
            in_specs=[pl.BlockSpec((1, gw), index_map=lambda i: (0, i))],
            out_specs=[pl.BlockSpec((gw, d), index_map=lambda i: (i, 0))],
            core_axis_name=("core", "subcore"),
            dimension_semantics=(pltpu.PARALLEL,),
        )(i_hbm, o_hbm)

    return gather_kernel(z, idx_flat)


def _stats_body(u_ref, g_ref, s1_ref, s2_ref):
    i = pl.program_id(0)

    @pl.when(i == 0)
    def _():
        s1_ref[...] = jnp.zeros_like(s1_ref)
        s2_ref[...] = jnp.zeros_like(s2_ref)

    u = u_ref[...]
    a1 = jnp.zeros((1, u.shape[1]), jnp.float32)
    a2 = jnp.zeros((1, u.shape[1]), jnp.float32)
    for k in range(_K):
        hk = u + g_ref[k]
        a1 = a1 + jnp.sum(hk, axis=0, keepdims=True)
        a2 = a2 + jnp.sum(hk * hk, axis=0, keepdims=True)
    s1_ref[0:1, :] += a1
    s2_ref[0:1, :] += a2


def _stats(u, g3, t):
    n, d = u.shape
    return pl.pallas_call(
        _stats_body,
        grid=(n // t,),
        in_specs=[
            pl.BlockSpec((t, d), lambda i: (i, 0)),
            pl.BlockSpec((_K, t, d), lambda i: (0, i, 0)),
        ],
        out_specs=[
            pl.BlockSpec((8, d), lambda i: (0, 0)),
            pl.BlockSpec((8, d), lambda i: (0, 0)),
        ],
        out_shape=[jax.ShapeDtypeStruct((8, d), jnp.float32)] * 2,
    )(u, g3)


def _edge_body(u_ref, g_ref, rb_ref, s1_ref, s2_ref, g1_ref, be1_ref,
               w2_ref, b2_ref, wl1_ref, bl1_ref, wl2_ref, bl2_ref,
               out_ref, pooled_ref, *, t, nk):
    i = pl.program_id(0)

    @pl.when(i == 0)
    def _():
        pooled_ref[...] = jnp.full_like(pooled_ref, -jnp.inf)

    d = u_ref.shape[1]
    mu = jnp.sum(s1_ref[...], axis=0, keepdims=True) / nk
    msq = jnp.sum(s2_ref[...], axis=0, keepdims=True) / nk
    var = msq - mu * mu
    scale = g1_ref[...] / jnp.sqrt(var + 1e-5)
    shift = be1_ref[...] - mu * scale

    u = u_ref[...]
    w2 = w2_ref[...]
    node = None
    for k in range(_K):
        rk = jnp.maximum((u + g_ref[k]) * scale + shift, 0.0)
        ek = jnp.dot(rk, w2, preferred_element_type=jnp.float32)
        node = ek if node is None else jnp.maximum(node, ek)
    node = node + b2_ref[...]

    rb = rb_ref[...]
    conts = [jnp.max(jnp.where(rb == b, node, -jnp.inf), axis=0,
                     keepdims=True) for b in range(_B)]
    pooled_ref[...] = jnp.maximum(pooled_ref[...],
                                  jnp.concatenate(conts, axis=0))

    @pl.when(i == pl.num_programs(0) - 1)
    def _():
        p = jnp.dot(pooled_ref[...], wl1_ref[...],
                    preferred_element_type=jnp.float32) + bl1_ref[...]
        p = jnp.maximum(p, 0.0)
        o = jnp.dot(p, wl2_ref[...],
                    preferred_element_type=jnp.float32) + bl2_ref[...]
        nrm = jnp.sqrt(jnp.sum(o * o, axis=1, keepdims=True))
        out_ref[...] = o / jnp.clip(nrm, 1e-12, None)


def _edge(u, g, rb2, s1, s2, g1, be1, w2, b2, wl1, bl1, wl2, bl2, t):
    n, d = u.shape
    return pl.pallas_call(
        functools.partial(_edge_body, t=t, nk=float(n * _K)),
        grid=(n // t,),
        in_specs=[
            pl.BlockSpec((t, d), lambda i: (i, 0)),
            pl.BlockSpec((_K, t, d), lambda i: (0, i, 0)),
            pl.BlockSpec((t, 1), lambda i: (i, 0)),
            pl.BlockSpec((8, d), lambda i: (0, 0)),
            pl.BlockSpec((8, d), lambda i: (0, 0)),
            pl.BlockSpec((1, d), lambda i: (0, 0)),
            pl.BlockSpec((1, d), lambda i: (0, 0)),
            pl.BlockSpec((d, d), lambda i: (0, 0)),
            pl.BlockSpec((1, d), lambda i: (0, 0)),
            pl.BlockSpec((d, d), lambda i: (0, 0)),
            pl.BlockSpec((1, d), lambda i: (0, 0)),
            pl.BlockSpec((d, d), lambda i: (0, 0)),
            pl.BlockSpec((1, d), lambda i: (0, 0)),
        ],
        out_specs=pl.BlockSpec((_B, d), lambda i: (0, 0)),
        out_shape=jax.ShapeDtypeStruct((_B, d), jnp.float32),
        scratch_shapes=[pltpu.VMEM((_B, d), jnp.float32)],
    )(u, g, rb2, s1, s2, g1.reshape(1, d), be1.reshape(1, d), w2,
      b2.reshape(1, d), wl1, bl1.reshape(1, d), wl2, bl2.reshape(1, d))


def _run(embeddings, batch, W1, b1, g1, be1, W2, b2, Wl1, bl1, Wl2, bl2,
         gather_fn):
    n, d = embeddings.shape
    t = _row_tile(n)
    c = 512
    npad = ((n + c - 1) // c) * c
    nc = npad // c

    tk = t
    b32 = batch.astype(jnp.int32)
    starts = jnp.searchsorted(b32, jnp.arange(_B + 1, dtype=jnp.int32),
                              side="left").astype(jnp.int32)
    tix = jnp.arange(n // tk, dtype=jnp.int32)
    lo = starts[b32[tix * tk]]
    hi = starts[b32[tix * tk + (tk - 1)] + 1]
    lohi = jnp.stack([lo // c, (hi + c - 1) // c]).astype(jnp.int32)

    xn, z, u, sqn = _prep(embeddings, W1, b1, t)

    xc3 = jnp.pad(xn, ((0, npad - n), (0, 0))).reshape(nc, c, d)
    bc3 = jnp.pad(b32, (0, npad - n),
                  constant_values=_B).reshape(nc, 1, c)
    sqc3 = jnp.pad(sqn.reshape(n), (0, npad - n)).reshape(nc, 1, c)
    rb2 = b32.reshape(n, 1)

    idx = _knn(lohi, xn, rb2, xc3, bc3, sqc3, tk, c)
    g3 = gather_fn(z, idx.T.reshape(1, n * _K)).reshape(_K, n, d)

    s1, s2 = _stats(u, g3, t)
    return _edge(u, g3, rb2, s1, s2, g1, be1, W2, b2,
                 Wl1, bl1, Wl2, bl2, t)


def kernel(embeddings, batch, W1, b1, g1, be1, W2, b2, Wl1, bl1, Wl2, bl2):
    return _run(embeddings, batch, W1, b1, g1, be1, W2, b2,
                Wl1, bl1, Wl2, bl2,
                functools.partial(_sc_gather, gw=128))

# --- scband reference (transcript-rebuilt; emitter-appended) ---
"""Pipeline reference for scband-cell-retrieval-network-66760971649770 (READ-ONLY COPY).

The authoritative reference and input builder live on the scoring server;
editing this copy changes nothing except your own understanding.
"""

import jax, jax.numpy as jnp
import numpy as np

N = 10000
D = 128
B = 16
K = 8


def setup_inputs(seed: int = 0) -> dict:
    key = jax.random.key(seed)
    ks = jax.random.split(key, 14)

    def w(k, shape):
        return jax.random.normal(k, shape, dtype=jnp.float32) * 0.05

    inp = {}
    inp["embeddings"] = jax.random.normal(ks[0], (N, D), dtype=jnp.float32)
    inp["batch"] = jnp.sort(jax.random.randint(ks[1], (N,), 0, B)).astype(jnp.int64)
    # DynamicEdgeConv MLP: get_mlp([2*D, D, D], add_batchnorm=True)
    inp["W1"] = w(ks[2], (2 * D, D))
    inp["b1"] = jnp.zeros((D,), jnp.float32)
    inp["g1"] = jnp.ones((D,), jnp.float32)
    inp["be1"] = jnp.zeros((D,), jnp.float32)
    inp["W2"] = w(ks[3], (D, D))
    inp["b2"] = jnp.zeros((D,), jnp.float32)
    # self.lin: get_mlp([D, D, D])
    inp["Wl1"] = w(ks[4], (D, D))
    inp["bl1"] = jnp.zeros((D,), jnp.float32)
    inp["Wl2"] = w(ks[5], (D, D))
    inp["bl2"] = jnp.zeros((D,), jnp.float32)
    return inp


def _normalize(x, axis=-1):
    n = jnp.linalg.norm(x, axis=axis, keepdims=True)
    return x / jnp.clip(n, 1e-12, None)


def reference(embeddings, batch, W1, b1, g1, be1, W2, b2, Wl1, bl1, Wl2, bl2):
    # encode_objects core: F.normalize -> DynamicEdgeConv(k=8, aggr='max') -> global_max_pool -> lin -> F.normalize
    x = _normalize(embeddings)

    # dynamic kNN graph in feature space, restricted to same batch segment
    sq = jnp.sum(x * x, axis=-1)
    d2 = sq[:, None] + sq[None, :] - 2.0 * (x @ x.T)
    cross = (batch[:, None] != batch[None, :]).astype(jnp.float32) * 1e10
    _, idx = jax.lax.top_k(-(d2 + cross), K)  # includes self (dist 0), as torch_cluster.knn does

    x_j = x[idx]                                   # [N, K, D] gather
    x_i = jnp.broadcast_to(x[:, None, :], (N, K, D))
    feat = jnp.concatenate([x_i, x_j - x_i], axis=-1).reshape(N * K, 2 * D)

    # edge MLP with batchnorm (training-mode batch stats)
    h = feat @ W1 + b1
    mu = jnp.mean(h, axis=0)
    var = jnp.var(h, axis=0)
    h = (h - mu) / jnp.sqrt(var + 1e-5) * g1 + be1
    h = jax.nn.relu(h)
    h = (h @ W2 + b2).reshape(N, K, D)

    node = jnp.max(h, axis=1)                      # aggr='max' over neighbors
    pooled = jax.ops.segment_max(node, batch, num_segments=B)  # global_max_pool

    out = jax.nn.relu(pooled @ Wl1 + bl1) @ Wl2 + bl2
    out = _normalize(out)
    return out

if __name__ == "__main__":
    import jax
    _d = setup_inputs()
    print(jax.jit(kernel)(*tuple(_d.values())))

</pallas_src>

<mosaic_0001>
#map = affine_map<(d0, d1) -> (0, 0)>
module attributes {stable_mosaic.version = 14 : i64} {
  func.func @gather_kernel(%arg0: i32, %arg1: i32, %arg2: memref<10000x128xf32, #tpu.memory_space<hbm>>, %arg3: memref<1x80000xi32, #tpu.memory_space<hbm>>, %arg4: memref<80000x128xf32, #tpu.memory_space<hbm>>) attributes {dimension_semantics = [#tpu.dimension_semantics<core_parallel>, #tpu.dimension_semantics<subcore_parallel>], iteration_bounds = array<i64: 2, 16>, scalar_prefetch = 0 : i64, scratch_operands = 0 : i64, tpu.core_type = #tpu.core_type<sc_vector_subcore>, window_params = [{transform_indices = #map}, {transform_indices = #map}, {transform_indices = #map}]} {
    %mul3A = arith.constant 1 : i32
    %mul3A_0 = arith.muli %arg1, %mul3A : i32
    %add3A = arith.constant 0 : i32
    %add3A_1 = arith.addi %add3A, %mul3A_0 : i32
    %mul3A_2 = arith.constant 16 : i32
    %mul3A_3 = arith.muli %arg0, %mul3A_2 : i32
    %add3A_4 = arith.addi %add3A_1, %mul3A_3 : i32
    %lt3A = arith.constant 17 : i32
    %lt3A_5 = arith.cmpi slt, %add3A_4, %lt3A : i32
    %jit3A = arith.constant 20 : i32
    %jit3A_6 = arith.constant 19 : i32
    %select_n3A = arith.select %lt3A_5, %jit3A, %jit3A_6 : i32
    %lt3A_7 = arith.constant 17 : i32
    %lt3A_8 = arith.cmpi slt, %add3A_4, %lt3A_7 : i32
    %mul3A_9 = arith.muli %add3A_4, %select_n3A : i32
    %mul3A_10 = arith.constant 19 : i32
    %mul3A_11 = arith.muli %add3A_4, %mul3A_10 : i32
    %add3A_12 = arith.constant 17 : i32
    %add3A_13 = arith.addi %mul3A_11, %add3A_12 : i32
    %select_n3A_14 = arith.select %lt3A_8, %mul3A_9, %add3A_13 : i32
    %mul3A_15 = arith.constant 1 : i32
    %mul3A_16 = arith.muli %mul3A_15, %select_n3A : i32
    "tpu.region"() ({
      %run_scoped3A = memref.alloca() : memref<2x1x128xi32, #tpu.memory_space<vmem>>
      %run_scoped3A_17 = tpu.sem_alloc : memref<2x!tpu.dma_semaphore, #tpu.memory_space<semaphore_mem>>
      %run_scoped3A_18 = memref.alloca() : memref<2x128x128xf32, #tpu.memory_space<vmem>>
      %run_scoped3A_19 = tpu.sem_alloc : memref<2x!tpu.dma_semaphore, #tpu.memory_space<semaphore_mem>>
      %gt3A = arith.constant 0 : i32
      %gt3A_20 = arith.cmpi sgt, %mul3A_16, %gt3A : i32
      %convert_element_type3A = arith.extui %gt3A_20 : i1 to i32
      %cond3A = arith.constant 0 : i32
      %cond3A_21 = arith.cmpi ne, %convert_element_type3A, %cond3A : i32
      scf.if %cond3A_21 {
        %mul3A_22 = arith.constant 1 : i32
        %mul3A_23 = arith.muli %mul3A_22, %select_n3A : i32
        %sub3A = arith.constant 1 : i32
        %sub3A_24 = arith.subi %mul3A_23, %sub3A : i32
        %eq3A = arith.constant 0 : i32
        %eq3A_25 = arith.cmpi eq, %sub3A_24, %eq3A : i32
        %add3A_26 = arith.constant 0 : i32
        %add3A_27 = arith.addi %add3A_26, %select_n3A_14 : i32
        %select_n3A_28 = arith.constant true
        %select_n3A_29 = arith.constant 0 : i32
        %select_n3A_30 = arith.constant -1 : i32
        %select_n3A_31 = arith.select %select_n3A_28, %select_n3A_30, %select_n3A_29 : i32
        %eq3A_32 = arith.constant -1 : i32
        %eq3A_33 = arith.cmpi eq, %select_n3A_31, %eq3A_32 : i32
        %sub3A_34 = arith.constant 1 : i32
        %sub3A_35 = arith.subi %select_n3A, %sub3A_34 : i32
        %select_n3A_36 = arith.select %eq3A_33, %sub3A_35, %select_n3A_31 : i32
        %add3A_37 = arith.addi %select_n3A_36, %select_n3A_14 : i32
        %select_n3A_38 = arith.constant true
        %select_n3A_39 = arith.constant 0 : i32
        %select_n3A_40 = arith.constant 1 : i32
        %select_n3A_41 = arith.select %select_n3A_38, %select_n3A_40, %select_n3A_39 : i32
        %eq3A_42 = arith.cmpi eq, %select_n3A_41, %select_n3A : i32
        %select_n3A_43 = arith.constant 0 : i32
        %select_n3A_44 = arith.select %eq3A_42, %select_n3A_43, %select_n3A_41 : i32
        %add3A_45 = arith.addi %select_n3A_44, %select_n3A_14 : i32
        %add3A_46 = arith.constant 1 : i32
        %add3A_47 = arith.addi %select_n3A_44, %add3A_46 : i32
        %select_n3A_48 = arith.constant true
        %select_n3A_49 = arith.select %select_n3A_48, %add3A_47, %select_n3A_44 : i32
        %eq3A_50 = arith.cmpi eq, %select_n3A_49, %select_n3A : i32
        %select_n3A_51 = arith.constant 0 : i32
        %select_n3A_52 = arith.select %eq3A_50, %select_n3A_51, %select_n3A_49 : i32
        %add3A_53 = arith.addi %select_n3A_52, %select_n3A_14 : i32
        "tpu.trace_start"() <{level = 10 : i32, message = "ep_initialize_0"}> : () -> ()
        %rem3A = arith.constant 0 : i32
        %rem3A_54 = arith.constant 2 : i32
        %rem3A_55 = arith.remui %rem3A, %rem3A_54 : i32
        %mul3A_56 = arith.constant 128 : i32
        %mul3A_57 = arith.muli %mul3A_56, %add3A_27 : i32
        %dma_start3A = arith.constant 0 : i32
        %dma_start3A_58 = arith.constant 0 : i32
        %dma_start3A_59 = tpu.memref_slice %run_scoped3A[%rem3A_55, %dma_start3A, %dma_start3A_58] : memref<2x1x128xi32, #tpu.memory_space<vmem>> -> memref<1x1x128xi32, #tpu.memory_space<vmem>>
        %dma_start3A_60 = tpu.memref_squeeze %dma_start3A_59 : memref<1x1x128xi32, #tpu.memory_space<vmem>> -> memref<1x128xi32, #tpu.memory_space<vmem>>
        %dma_start3A_61 = arith.constant 0 : i32
        %dma_start3A_62 = tpu.memref_slice %arg3[%dma_start3A_61, %mul3A_57] : memref<1x80000xi32, #tpu.memory_space<hbm>> -> memref<1x128xi32, #tpu.memory_space<hbm>>
        %dma_start3A_63 = tpu.memref_slice %run_scoped3A_17[%rem3A_55] : memref<2x!tpu.dma_semaphore, #tpu.memory_space<semaphore_mem>> -> memref<1x!tpu.dma_semaphore, #tpu.memory_space<semaphore_mem>>
        %dma_start3A_64 = tpu.memref_squeeze %dma_start3A_63 : memref<1x!tpu.dma_semaphore, #tpu.memory_space<semaphore_mem>> -> memref<!tpu.dma_semaphore, #tpu.memory_space<semaphore_mem>>
        %dma_start3A_65 = arith.constant 0 : i32
        %dma_start3A_66 = arith.constant 0 : i32
        %dma_start3A_67 = tpu.memref_slice %run_scoped3A[%rem3A_55, %dma_start3A_65, %dma_start3A_66] : memref<2x1x128xi32, #tpu.memory_space<vmem>> -> memref<1x1x128xi32, #tpu.memory_space<vmem>>
        %dma_start3A_68 = tpu.memref_squeeze %dma_start3A_67 : memref<1x1x128xi32, #tpu.memory_space<vmem>> -> memref<1x128xi32, #tpu.memory_space<vmem>>
        %dma_start3A_69 = arith.constant 0 : i32
        %dma_start3A_70 = tpu.memref_slice %arg3[%dma_start3A_69, %mul3A_57] : memref<1x80000xi32, #tpu.memory_space<hbm>> -> memref<1x128xi32, #tpu.memory_space<hbm>>
        tpu.enqueue_dma source(%dma_start3A_70 : memref<1x128xi32, #tpu.memory_space<hbm>>) target(%dma_start3A_68 : memref<1x128xi32, #tpu.memory_space<vmem>>) target_semaphore(%dma_start3A_64 : memref<!tpu.dma_semaphore, #tpu.memory_space<semaphore_mem>>)
        %add3A_71 = arith.constant 0 : i32
        %add3A_72 = arith.constant 1 : i32
        %add3A_73 = arith.addi %add3A_71, %add3A_72 : i32
        %select_n3A_74 = arith.constant true
        %select_n3A_75 = arith.constant 0 : i32
        %select_n3A_76 = arith.select %select_n3A_74, %add3A_73, %select_n3A_75 : i32
        %while3A = arith.constant 0 : i32
        %while3A_77 = arith.constant 0 : i32
        %while3A_78 = arith.constant 0 : i32
        %while3A_79 = arith.constant 0 : i32
        %while3A_80 = arith.constant 0 : i32
        "tpu.trace_stop"() : () -> ()
        %while3A_81 = arith.subi %mul3A_16, %while3A : i32
        %while3A_82 = arith.addi %while3A, %while3A_81 : i32
        %while3A_83 = arith.constant 1 : i32
        %while3A_84 = arith.divsi %while3A_81, %while3A_83 : i32
        %while3A_85 = arith.muli %while3A_84, %while3A_83 : i32
        %while3A_86 = arith.addi %while3A, %while3A_85 : i32
        %while3A_87 = arith.constant 1 : i32
        %while3A_88:5 = scf.for %while3A_142 = %while3A to %while3A_86 step %while3A_87 iter_args(%while3A_143 = %select_n3A_76, %while3A_144 = %while3A_77, %while3A_145 = %while3A_78, %while3A_146 = %while3A_79, %while3A_147 = %while3A_80) -> (i32, i32, i32, i32, i32)  : i32 {
          %mul3A_148 = arith.constant 1 : i32
          %mul3A_149 = arith.muli %mul3A_148, %select_n3A : i32
          %eq3A_150 = arith.constant 0 : i32
          %eq3A_151 = arith.cmpi eq, %while3A_142, %eq3A_150 : i32
          %sub3A_152 = arith.constant 1 : i32
          %sub3A_153 = arith.subi %mul3A_149, %sub3A_152 : i32
          %eq3A_154 = arith.cmpi eq, %while3A_142, %sub3A_153 : i32
          %add3A_155 = arith.addi %while3A_147, %select_n3A_14 : i32
          %sub3A_156 = arith.constant 1 : i32
          %sub3A_157 = arith.subi %while3A_147, %sub3A_156 : i32
          %select_n3A_158 = arith.constant true
          %select_n3A_159 = arith.select %select_n3A_158, %sub3A_157, %while3A_147 : i32
          %eq3A_160 = arith.constant -1 : i32
          %eq3A_161 = arith.cmpi eq, %select_n3A_159, %eq3A_160 : i32
          %sub3A_162 = arith.constant 1 : i32
          %sub3A_163 = arith.subi %select_n3A, %sub3A_162 : i32
          %select_n3A_164 = arith.select %eq3A_161, %sub3A_163, %select_n3A_159 : i32
          %add3A_165 = arith.addi %select_n3A_164, %select_n3A_14 : i32
          %add3A_166 = arith.constant 1 : i32
          %add3A_167 = arith.addi %while3A_147, %add3A_166 : i32
          %select_n3A_168 = arith.constant true
          %select_n3A_169 = arith.select %select_n3A_168, %add3A_167, %while3A_147 : i32
          %eq3A_170 = arith.cmpi eq, %select_n3A_169, %select_n3A : i32
          %select_n3A_171 = arith.constant 0 : i32
          %select_n3A_172 = arith.select %eq3A_170, %select_n3A_171, %select_n3A_169 : i32
          %add3A_173 = arith.addi %select_n3A_172, %select_n3A_14 : i32
          %add3A_174 = arith.constant 1 : i32
          %add3A_175 = arith.addi %select_n3A_172, %add3A_174 : i32
          %select_n3A_176 = arith.constant true
          %select_n3A_177 = arith.select %select_n3A_176, %add3A_175, %select_n3A_172 : i32
          %eq3A_178 = arith.cmpi eq, %select_n3A_177, %select_n3A : i32
          %select_n3A_179 = arith.constant 0 : i32
          %select_n3A_180 = arith.select %eq3A_178, %select_n3A_179, %select_n3A_177 : i32
          %add3A_181 = arith.addi %select_n3A_180, %select_n3A_14 : i32
          %ne3A = arith.cmpi ne, %add3A_155, %add3A_173 : i32
          %or3A = arith.constant false
          %or3A_182 = arith.ori %or3A, %ne3A : i1
          %sub3A_183 = arith.constant 2 : i32
          %sub3A_184 = arith.subi %mul3A_149, %sub3A_183 : i32
          %add3A_185 = arith.constant 1 : i32
          %add3A_186 = arith.addi %sub3A_184, %add3A_185 : i32
          %ge3A = arith.cmpi sge, %while3A_142, %add3A_186 : i32
          %not3A = arith.constant true
          %not3A_187 = arith.xori %ge3A, %not3A : i1
          %and3A = arith.andi %or3A_182, %not3A_187 : i1
          %convert_element_type3A_188 = arith.extui %and3A : i1 to i32
          %cond3A_189 = arith.constant 0 : i32
          %cond3A_190 = arith.cmpi ne, %convert_element_type3A_188, %cond3A_189 : i32
          scf.if %cond3A_190 {
            "tpu.trace_start"() <{level = 10 : i32, message = "ep_copy_in"}> : () -> ()
            %rem3A_294 = arith.constant 2 : i32
            %rem3A_295 = arith.remui %while3A_143, %rem3A_294 : i32
            %mul3A_296 = arith.constant 128 : i32
            %mul3A_297 = arith.muli %mul3A_296, %add3A_173 : i32
            %dma_start3A_298 = arith.constant 0 : i32
            %dma_start3A_299 = arith.constant 0 : i32
            %dma_start3A_300 = tpu.memref_slice %run_scoped3A[%rem3A_295, %dma_start3A_298, %dma_start3A_299] : memref<2x1x128xi32, #tpu.memory_space<vmem>> -> memref<1x1x128xi32, #tpu.memory_space<vmem>>
            %dma_start3A_301 = tpu.memref_squeeze %dma_start3A_300 : memref<1x1x128xi32, #tpu.memory_space<vmem>> -> memref<1x128xi32, #tpu.memory_space<vmem>>
            %dma_start3A_302 = arith.constant 0 : i32
            %dma_start3A_303 = tpu.memref_slice %arg3[%dma_start3A_302, %mul3A_297] : memref<1x80000xi32, #tpu.memory_space<hbm>> -> memref<1x128xi32, #tpu.memory_space<hbm>>
            %dma_start3A_304 = tpu.memref_slice %run_scoped3A_17[%rem3A_295] : memref<2x!tpu.dma_semaphore, #tpu.memory_space<semaphore_mem>> -> memref<1x!tpu.dma_semaphore, #tpu.memory_space<semaphore_mem>>
            %dma_start3A_305 = tpu.memref_squeeze %dma_start3A_304 : memref<1x!tpu.dma_semaphore, #tpu.memory_space<semaphore_mem>> -> memref<!tpu.dma_semaphore, #tpu.memory_space<semaphore_mem>>
            %dma_start3A_306 = arith.constant 0 : i32
            %dma_start3A_307 = arith.constant 0 : i32
            %dma_start3A_308 = tpu.memref_slice %run_scoped3A[%rem3A_295, %dma_start3A_306, %dma_start3A_307] : memref<2x1x128xi32, #tpu.memory_space<vmem>> -> memref<1x1x128xi32, #tpu.memory_space<vmem>>
            %dma_start3A_309 = tpu.memref_squeeze %dma_start3A_308 : memref<1x1x128xi32, #tpu.memory_space<vmem>> -> memref<1x128xi32, #tpu.memory_space<vmem>>
            %dma_start3A_310 = arith.constant 0 : i32
            %dma_start3A_311 = tpu.memref_slice %arg3[%dma_start3A_310, %mul3A_297] : memref<1x80000xi32, #tpu.memory_space<hbm>> -> memref<1x128xi32, #tpu.memory_space<hbm>>
            tpu.enqueue_dma source(%dma_start3A_311 : memref<1x128xi32, #tpu.memory_space<hbm>>) target(%dma_start3A_309 : memref<1x128xi32, #tpu.memory_space<vmem>>) target_semaphore(%dma_start3A_305 : memref<!tpu.dma_semaphore, #tpu.memory_space<semaphore_mem>>)
            "tpu.trace_stop"() : () -> ()
          } else {
          }
          %and3A_191 = arith.constant true
          %and3A_192 = arith.andi %and3A, %and3A_191 : i1
          %add3A_193 = arith.constant 1 : i32
          %add3A_194 = arith.addi %while3A_143, %add3A_193 : i32
          %select_n3A_195 = arith.select %and3A_192, %add3A_194, %while3A_143 : i32
          %ne3A_196 = arith.cmpi ne, %add3A_155, %add3A_173 : i32
          %or3A_197 = arith.constant false
          %or3A_198 = arith.ori %or3A_197, %ne3A_196 : i1
          %or3A_199 = arith.constant false
          %or3A_200 = arith.ori %or3A_198, %or3A_199 : i1
          %sub3A_201 = arith.constant 2 : i32
          %sub3A_202 = arith.subi %mul3A_149, %sub3A_201 : i32
          %add3A_203 = arith.constant 1 : i32
          %add3A_204 = arith.addi %sub3A_202, %add3A_203 : i32
          %ge3A_205 = arith.cmpi sge, %while3A_142, %add3A_204 : i32
          %not3A_206 = arith.constant true
          %not3A_207 = arith.xori %ge3A_205, %not3A_206 : i1
          %and3A_208 = arith.andi %or3A_200, %not3A_207 : i1
          %ne3A_209 = arith.cmpi ne, %add3A_155, %add3A_165 : i32
          %or3A_210 = arith.constant false
          %or3A_211 = arith.ori %or3A_210, %ne3A_209 : i1
          %or3A_212 = arith.ori %or3A_211, %eq3A_151 : i1
          %convert_element_type3A_213 = arith.extui %or3A_212 : i1 to i32
          %cond3A_214 = arith.constant 0 : i32
          %cond3A_215 = arith.cmpi ne, %convert_element_type3A_213, %cond3A_214 : i32
          scf.if %cond3A_215 {
            "tpu.trace_start"() <{level = 10 : i32, message = "ep_wait_in"}> : () -> ()
            %mul3A_294 = arith.constant 128 : i32
            %mul3A_295 = arith.muli %mul3A_294, %add3A_155 : i32
            %rem3A_296 = arith.constant 2 : i32
            %rem3A_297 = arith.remui %while3A_144, %rem3A_296 : i32
            %dma_wait3A = arith.constant 0 : i32
            %dma_wait3A_298 = arith.constant 0 : i32
            %dma_wait3A_299 = tpu.memref_slice %run_scoped3A[%rem3A_297, %dma_wait3A, %dma_wait3A_298] : memref<2x1x128xi32, #tpu.memory_space<vmem>> -> memref<1x1x128xi32, #tpu.memory_space<vmem>>
            %dma_wait3A_300 = tpu.memref_squeeze %dma_wait3A_299 : memref<1x1x128xi32, #tpu.memory_space<vmem>> -> memref<1x128xi32, #tpu.memory_space<vmem>>
            %dma_wait3A_301 = arith.constant 0 : i32
            %dma_wait3A_302 = tpu.memref_slice %arg3[%dma_wait3A_301, %mul3A_295] : memref<1x80000xi32, #tpu.memory_space<hbm>> -> memref<1x128xi32, #tpu.memory_space<hbm>>
            %dma_wait3A_303 = tpu.memref_slice %run_scoped3A_17[%rem3A_297] : memref<2x!tpu.dma_semaphore, #tpu.memory_space<semaphore_mem>> -> memref<1x!tpu.dma_semaphore, #tpu.memory_space<semaphore_mem>>
            %dma_wait3A_304 = tpu.memref_squeeze %dma_wait3A_303 : memref<1x!tpu.dma_semaphore, #tpu.memory_space<semaphore_mem>> -> memref<!tpu.dma_semaphore, #tpu.memory_space<semaphore_mem>>
            %dma_wait3A_305 = arith.constant 0 : i32
            %dma_wait3A_306 = arith.constant 0 : i32
            %dma_wait3A_307 = tpu.memref_slice %run_scoped3A[%rem3A_297, %dma_wait3A_305, %dma_wait3A_306] : memref<2x1x128xi32, #tpu.memory_space<vmem>> -> memref<1x1x128xi32, #tpu.memory_space<vmem>>
            %dma_wait3A_308 = tpu.memref_squeeze %dma_wait3A_307 : memref<1x1x128xi32, #tpu.memory_space<vmem>> -> memref<1x128xi32, #tpu.memory_space<vmem>>
            %dma_wait3A_309 = arith.constant 0 : i32
            %dma_wait3A_310 = tpu.memref_slice %arg3[%dma_wait3A_309, %mul3A_295] : memref<1x80000xi32, #tpu.memory_space<hbm>> -> memref<1x128xi32, #tpu.memory_space<hbm>>
            tpu.wait_dma2 semaphore(%dma_wait3A_304 : memref<!tpu.dma_semaphore, #tpu.memory_space<semaphore_mem>>) src(%dma_wait3A_310 : memref<1x128xi32, #tpu.memory_space<hbm>>) dst(%dma_wait3A_308 : memref<1x128xi32, #tpu.memory_space<vmem>>)
            "tpu.trace_stop"() : () -> ()
          } else {
          }
          %ne3A_216 = arith.cmpi ne, %add3A_155, %add3A_165 : i32
          %or3A_217 = arith.constant false
          %or3A_218 = arith.ori %or3A_217, %ne3A_216 : i1
          %or3A_219 = arith.constant false
          %or3A_220 = arith.ori %or3A_218, %or3A_219 : i1
          %or3A_221 = arith.ori %or3A_220, %eq3A_151 : i1
          %convert_element_type3A_222 = arith.extui %or3A_221 : i1 to i32
          %cond3A_223 = arith.constant 0 : i32
          %cond3A_224 = arith.cmpi ne, %convert_element_type3A_222, %cond3A_223 : i32
          scf.if %cond3A_224 {
          } else {
          }
          %rem3A_225 = arith.constant 2 : i32
          %rem3A_226 = arith.remui %while3A_144, %rem3A_225 : i32
          %rem3A_227 = arith.constant 2 : i32
          %rem3A_228 = arith.remui %while3A_145, %rem3A_227 : i32
          %run_scoped3A_229 = arith.constant 0 : i32
          "tpu.trace_start"() <{level = 10 : i32, message = "ep_run_kernel"}> : () -> ()
          "tpu.region"() ({
            %run_scoped3A_294 = tpu.sem_alloc : memref<!tpu.dma_semaphore, #tpu.memory_space<semaphore_mem>>
            %dma_start3A_295 = arith.constant 0 : i32
            %dma_start3A_296 = arith.constant 0 : i32
            %dma_start3A_297 = tpu.memref_slice %run_scoped3A_18[%rem3A_228, %dma_start3A_295, %dma_start3A_296] : memref<2x128x128xf32, #tpu.memory_space<vmem>> -> memref<1x128x128xf32, #tpu.memory_space<vmem>>
            %dma_start3A_298 = tpu.memref_squeeze %dma_start3A_297 : memref<1x128x128xf32, #tpu.memory_space<vmem>> -> memref<128x128xf32, #tpu.memory_space<vmem>>
            %dma_start3A_299 = arith.constant 0 : i32
            %dma_start3A_300 = arith.constant 0 : i32
            %dma_start3A_301 = tpu.memref_slice %run_scoped3A[%rem3A_226, %dma_start3A_299, %dma_start3A_300] : memref<2x1x128xi32, #tpu.memory_space<vmem>> -> memref<1x1x128xi32, #tpu.memory_space<vmem>>
            %dma_start3A_302 = tpu.memref_squeeze %dma_start3A_301 : memref<1x1x128xi32, #tpu.memory_space<vmem>> -> memref<1x128xi32, #tpu.memory_space<vmem>>
            %dma_start3A_303 = arith.constant 0 : i32
            %dma_start3A_304 = tpu.memref_slice %dma_start3A_302[%run_scoped3A_229, %dma_start3A_303] : memref<1x128xi32, #tpu.memory_space<vmem>> -> memref<1x128xi32, #tpu.memory_space<vmem>>
            %dma_start3A_305 = tpu.memref_squeeze %dma_start3A_304 : memref<1x128xi32, #tpu.memory_space<vmem>> -> memref<128xi32, #tpu.memory_space<vmem>>
            %dma_start3A_306 = arith.constant 0 : i32
            %dma_start3A_307 = arith.constant 0 : i32
            %dma_start3A_308 = tpu.memref_slice %arg2[%dma_start3A_306, %dma_start3A_307] : memref<10000x128xf32, #tpu.memory_space<hbm>> -> memref<10000x128xf32, #tpu.memory_space<hbm>>
            tpu.enqueue_indirect_dma source(%dma_start3A_308 : memref<10000x128xf32, #tpu.memory_space<hbm>>) target(%dma_start3A_298 : memref<128x128xf32, #tpu.memory_space<vmem>>) offsets(%dma_start3A_305 : memref<128xi32, #tpu.memory_space<vmem>>) semaphore(%run_scoped3A_294 : memref<!tpu.dma_semaphore, #tpu.memory_space<semaphore_mem>>)
            %dma_wait3A = arith.constant 0 : i32
            %dma_wait3A_309 = arith.constant 0 : i32
            %dma_wait3A_310 = tpu.memref_slice %run_scoped3A_18[%rem3A_228, %dma_wait3A, %dma_wait3A_309] : memref<2x128x128xf32, #tpu.memory_space<vmem>> -> memref<1x128x128xf32, #tpu.memory_space<vmem>>
            %dma_wait3A_311 = tpu.memref_squeeze %dma_wait3A_310 : memref<1x128x128xf32, #tpu.memory_space<vmem>> -> memref<128x128xf32, #tpu.memory_space<vmem>>
            %dma_wait3A_312 = arith.constant 0 : i32
            %dma_wait3A_313 = arith.constant 0 : i32
            %dma_wait3A_314 = tpu.memref_slice %run_scoped3A[%rem3A_226, %dma_wait3A_312, %dma_wait3A_313] : memref<2x1x128xi32, #tpu.memory_space<vmem>> -> memref<1x1x128xi32, #tpu.memory_space<vmem>>
            %dma_wait3A_315 = tpu.memref_squeeze %dma_wait3A_314 : memref<1x1x128xi32, #tpu.memory_space<vmem>> -> memref<1x128xi32, #tpu.memory_space<vmem>>
            %dma_wait3A_316 = arith.constant 0 : i32
            %dma_wait3A_317 = tpu.memref_slice %dma_wait3A_315[%run_scoped3A_229, %dma_wait3A_316] : memref<1x128xi32, #tpu.memory_space<vmem>> -> memref<1x128xi32, #tpu.memory_space<vmem>>
            %dma_wait3A_318 = tpu.memref_squeeze %dma_wait3A_317 : memref<1x128xi32, #tpu.memory_space<vmem>> -> memref<128xi32, #tpu.memory_space<vmem>>
            %dma_wait3A_319 = arith.constant 0 : i32
            %dma_wait3A_320 = arith.constant 0 : i32
            %dma_wait3A_321 = tpu.memref_slice %arg2[%dma_wait3A_319, %dma_wait3A_320] : memref<10000x128xf32, #tpu.memory_space<hbm>> -> memref<10000x128xf32, #tpu.memory_space<hbm>>
            tpu.wait_indirect_dma semaphore(%run_scoped3A_294 : memref<!tpu.dma_semaphore, #tpu.memory_space<semaphore_mem>>) src(%dma_wait3A_321 : memref<10000x128xf32, #tpu.memory_space<hbm>>) dst(%dma_wait3A_311 : memref<128x128xf32, #tpu.memory_space<vmem>>)
            tpu.yield
          }) : () -> ()
          "tpu.trace_stop"() : () -> ()
          %ne3A_230 = arith.cmpi ne, %add3A_155, %add3A_173 : i32
          %or3A_231 = arith.constant false
          %or3A_232 = arith.ori %or3A_231, %ne3A_230 : i1
          %or3A_233 = arith.ori %or3A_232, %eq3A_154 : i1
          %convert_element_type3A_234 = arith.extui %or3A_233 : i1 to i32
          %cond3A_235 = arith.constant 0 : i32
          %cond3A_236 = arith.cmpi ne, %convert_element_type3A_234, %cond3A_235 : i32
          scf.if %cond3A_236 {
          } else {
          }
          %and3A_237 = arith.constant false
          %and3A_238 = arith.andi %or3A_233, %and3A_237 : i1
          %ne3A_239 = arith.cmpi ne, %add3A_155, %add3A_173 : i32
          %or3A_240 = arith.constant false
          %or3A_241 = arith.ori %or3A_240, %ne3A_239 : i1
          %or3A_242 = arith.constant false
          %or3A_243 = arith.ori %or3A_241, %or3A_242 : i1
          %or3A_244 = arith.ori %or3A_243, %eq3A_154 : i1
          %convert_element_type3A_245 = arith.extui %or3A_244 : i1 to i32
          %cond3A_246 = arith.constant 0 : i32
          %cond3A_247 = arith.cmpi ne, %convert_element_type3A_245, %cond3A_246 : i32
          scf.if %cond3A_247 {
            "tpu.trace_start"() <{level = 10 : i32, message = "ep_copy_out"}> : () -> ()
            %rem3A_294 = arith.constant 2 : i32
            %rem3A_295 = arith.remui %while3A_145, %rem3A_294 : i32
            %mul3A_296 = arith.constant 128 : i32
            %mul3A_297 = arith.muli %mul3A_296, %add3A_155 : i32
            %dma_start3A_298 = arith.constant 0 : i32
            %dma_start3A_299 = arith.constant 0 : i32
            %dma_start3A_300 = tpu.memref_slice %run_scoped3A_18[%rem3A_295, %dma_start3A_298, %dma_start3A_299] : memref<2x128x128xf32, #tpu.memory_space<vmem>> -> memref<1x128x128xf32, #tpu.memory_space<vmem>>
            %dma_start3A_301 = tpu.memref_squeeze %dma_start3A_300 : memref<1x128x128xf32, #tpu.memory_space<vmem>> -> memref<128x128xf32, #tpu.memory_space<vmem>>
            %dma_start3A_302 = arith.constant 0 : i32
            %dma_start3A_303 = tpu.memref_slice %arg4[%mul3A_297, %dma_start3A_302] : memref<80000x128xf32, #tpu.memory_space<hbm>> -> memref<128x128xf32, #tpu.memory_space<hbm>>
            %dma_start3A_304 = tpu.memref_slice %run_scoped3A_19[%rem3A_295] : memref<2x!tpu.dma_semaphore, #tpu.memory_space<semaphore_mem>> -> memref<1x!tpu.dma_semaphore, #tpu.memory_space<semaphore_mem>>
            %dma_start3A_305 = tpu.memref_squeeze %dma_start3A_304 : memref<1x!tpu.dma_semaphore, #tpu.memory_space<semaphore_mem>> -> memref<!tpu.dma_semaphore, #tpu.memory_space<semaphore_mem>>
            %dma_start3A_306 = arith.constant 0 : i32
            %dma_start3A_307 = tpu.memref_slice %arg4[%mul3A_297, %dma_start3A_306] : memref<80000x128xf32, #tpu.memory_space<hbm>> -> memref<128x128xf32, #tpu.memory_space<hbm>>
            %dma_start3A_308 = arith.constant 0 : i32
            %dma_start3A_309 = arith.constant 0 : i32
            %dma_start3A_310 = tpu.memref_slice %run_scoped3A_18[%rem3A_295, %dma_start3A_308, %dma_start3A_309] : memref<2x128x128xf32, #tpu.memory_space<vmem>> -> memref<1x128x128xf32, #tpu.memory_space<vmem>>
            %dma_start3A_311 = tpu.memref_squeeze %dma_start3A_310 : memref<1x128x128xf32, #tpu.memory_space<vmem>> -> memref<128x128xf32, #tpu.memory_space<vmem>>
            tpu.enqueue_dma source(%dma_start3A_311 : memref<128x128xf32, #tpu.memory_space<vmem>>) target(%dma_start3A_307 : memref<128x128xf32, #tpu.memory_space<hbm>>) target_semaphore(%dma_start3A_305 : memref<!tpu.dma_semaphore, #tpu.memory_space<semaphore_mem>>)
            "tpu.trace_stop"() : () -> ()
          } else {
          }
          %and3A_248 = arith.constant true
          %and3A_249 = arith.andi %or3A_244, %and3A_248 : i1
          %add3A_250 = arith.constant 1 : i32
          %add3A_251 = arith.addi %while3A_145, %add3A_250 : i32
          %select_n3A_252 = arith.select %and3A_249, %add3A_251, %while3A_145 : i32
          %ne3A_253 = arith.cmpi ne, %add3A_155, %add3A_165 : i32
          %or3A_254 = arith.constant false
          %or3A_255 = arith.ori %or3A_254, %ne3A_253 : i1
          %not3A_256 = arith.constant true
          %not3A_257 = arith.xori %eq3A_151, %not3A_256 : i1
          %and3A_258 = arith.andi %or3A_255, %not3A_257 : i1
          %convert_element_type3A_259 = arith.extui %and3A_258 : i1 to i32
          %cond3A_260 = arith.constant 0 : i32
          %cond3A_261 = arith.cmpi ne, %convert_element_type3A_259, %cond3A_260 : i32
          scf.if %cond3A_261 {
          } else {
          }
          %and3A_262 = arith.constant false
          %and3A_263 = arith.andi %and3A_258, %and3A_262 : i1
          %ne3A_264 = arith.cmpi ne, %add3A_155, %add3A_165 : i32
          %or3A_265 = arith.constant false
          %or3A_266 = arith.ori %or3A_265, %ne3A_264 : i1
          %or3A_267 = arith.constant false
          %or3A_268 = arith.ori %or3A_266, %or3A_267 : i1
          %not3A_269 = arith.constant true
          %not3A_270 = arith.xori %eq3A_151, %not3A_269 : i1
          %and3A_271 = arith.andi %or3A_268, %not3A_270 : i1
          %convert_element_type3A_272 = arith.extui %and3A_271 : i1 to i32
          %cond3A_273 = arith.constant 0 : i32
          %cond3A_274 = arith.cmpi ne, %convert_element_type3A_272, %cond3A_273 : i32
          scf.if %cond3A_274 {
            "tpu.trace_start"() <{level = 10 : i32, message = "ep_wait_out"}> : () -> ()
            %rem3A_294 = arith.constant 2 : i32
            %rem3A_295 = arith.remui %while3A_146, %rem3A_294 : i32
            %mul3A_296 = arith.constant 128 : i32
            %mul3A_297 = arith.muli %mul3A_296, %add3A_165 : i32
            %dma_wait3A = arith.constant 0 : i32
            %dma_wait3A_298 = arith.constant 0 : i32
            %dma_wait3A_299 = tpu.memref_slice %run_scoped3A_18[%rem3A_295, %dma_wait3A, %dma_wait3A_298] : memref<2x128x128xf32, #tpu.memory_space<vmem>> -> memref<1x128x128xf32, #tpu.memory_space<vmem>>
            %dma_wait3A_300 = tpu.memref_squeeze %dma_wait3A_299 : memref<1x128x128xf32, #tpu.memory_space<vmem>> -> memref<128x128xf32, #tpu.memory_space<vmem>>
            %dma_wait3A_301 = arith.constant 0 : i32
            %dma_wait3A_302 = tpu.memref_slice %arg4[%mul3A_297, %dma_wait3A_301] : memref<80000x128xf32, #tpu.memory_space<hbm>> -> memref<128x128xf32, #tpu.memory_space<hbm>>
            %dma_wait3A_303 = tpu.memref_slice %run_scoped3A_19[%rem3A_295] : memref<2x!tpu.dma_semaphore, #tpu.memory_space<semaphore_mem>> -> memref<1x!tpu.dma_semaphore, #tpu.memory_space<semaphore_mem>>
            %dma_wait3A_304 = tpu.memref_squeeze %dma_wait3A_303 : memref<1x!tpu.dma_semaphore, #tpu.memory_space<semaphore_mem>> -> memref<!tpu.dma_semaphore, #tpu.memory_space<semaphore_mem>>
            %dma_wait3A_305 = arith.constant 0 : i32
            %dma_wait3A_306 = tpu.memref_slice %arg4[%mul3A_297, %dma_wait3A_305] : memref<80000x128xf32, #tpu.memory_space<hbm>> -> memref<128x128xf32, #tpu.memory_space<hbm>>
            %dma_wait3A_307 = arith.constant 0 : i32
            %dma_wait3A_308 = arith.constant 0 : i32
            %dma_wait3A_309 = tpu.memref_slice %run_scoped3A_18[%rem3A_295, %dma_wait3A_307, %dma_wait3A_308] : memref<2x128x128xf32, #tpu.memory_space<vmem>> -> memref<1x128x128xf32, #tpu.memory_space<vmem>>
            %dma_wait3A_310 = tpu.memref_squeeze %dma_wait3A_309 : memref<1x128x128xf32, #tpu.memory_space<vmem>> -> memref<128x128xf32, #tpu.memory_space<vmem>>
            tpu.wait_dma2 semaphore(%dma_wait3A_304 : memref<!tpu.dma_semaphore, #tpu.memory_space<semaphore_mem>>) src(%dma_wait3A_310 : memref<128x128xf32, #tpu.memory_space<vmem>>) dst(%dma_wait3A_306 : memref<128x128xf32, #tpu.memory_space<hbm>>)
            "tpu.trace_stop"() : () -> ()
          } else {
          }
          %and3A_275 = arith.constant true
          %and3A_276 = arith.andi %and3A_271, %and3A_275 : i1
          %add3A_277 = arith.constant 1 : i32
          %add3A_278 = arith.addi %while3A_146, %add3A_277 : i32
          %select_n3A_279 = arith.select %and3A_276, %add3A_278, %while3A_146 : i32
          %ne3A_280 = arith.cmpi ne, %add3A_155, %add3A_173 : i32
          %or3A_281 = arith.constant false
          %or3A_282 = arith.ori %or3A_281, %ne3A_280 : i1
          %or3A_283 = arith.ori %or3A_282, %eq3A_154 : i1
          %add3A_284 = arith.constant 1 : i32
          %add3A_285 = arith.addi %while3A_144, %add3A_284 : i32
          %select_n3A_286 = arith.select %or3A_283, %add3A_285, %while3A_144 : i32
          %add3A_287 = arith.constant 1 : i32
          %add3A_288 = arith.addi %while3A_147, %add3A_287 : i32
          %select_n3A_289 = arith.constant true
          %select_n3A_290 = arith.select %select_n3A_289, %add3A_288, %while3A_147 : i32
          %eq3A_291 = arith.cmpi eq, %select_n3A_290, %select_n3A : i32
          %select_n3A_292 = arith.constant 0 : i32
          %select_n3A_293 = arith.select %eq3A_291, %select_n3A_292, %select_n3A_290 : i32
          scf.yield %select_n3A_195, %select_n3A_286, %select_n3A_252, %select_n3A_279, %select_n3A_293 : i32, i32, i32, i32, i32
        }
        %while3A_89 = arith.constant 1 : i32
        %while3A_90:5 = scf.for %while3A_142 = %while3A_86 to %while3A_82 step %while3A_89 iter_args(%while3A_143 = %while3A_88#0, %while3A_144 = %while3A_88#1, %while3A_145 = %while3A_88#2, %while3A_146 = %while3A_88#3, %while3A_147 = %while3A_88#4) -> (i32, i32, i32, i32, i32)  : i32 {
          %mul3A_148 = arith.constant 1 : i32
          %mul3A_149 = arith.muli %mul3A_148, %select_n3A : i32
          %eq3A_150 = arith.constant 0 : i32
          %eq3A_151 = arith.cmpi eq, %while3A_142, %eq3A_150 : i32
          %sub3A_152 = arith.constant 1 : i32
          %sub3A_153 = arith.subi %mul3A_149, %sub3A_152 : i32
          %eq3A_154 = arith.cmpi eq, %while3A_142, %sub3A_153 : i32
          %add3A_155 = arith.addi %while3A_147, %select_n3A_14 : i32
          %sub3A_156 = arith.constant 1 : i32
          %sub3A_157 = arith.subi %while3A_147, %sub3A_156 : i32
          %select_n3A_158 = arith.constant true
          %select_n3A_159 = arith.select %select_n3A_158, %sub3A_157, %while3A_147 : i32
          %eq3A_160 = arith.constant -1 : i32
          %eq3A_161 = arith.cmpi eq, %select_n3A_159, %eq3A_160 : i32
          %sub3A_162 = arith.constant 1 : i32
          %sub3A_163 = arith.subi %select_n3A, %sub3A_162 : i32
          %select_n3A_164 = arith.select %eq3A_161, %sub3A_163, %select_n3A_159 : i32
          %add3A_165 = arith.addi %select_n3A_164, %select_n3A_14 : i32
          %add3A_166 = arith.constant 1 : i32
          %add3A_167 = arith.addi %while3A_147, %add3A_166 : i32
          %select_n3A_168 = arith.constant true
          %select_n3A_169 = arith.select %select_n3A_168, %add3A_167, %while3A_147 : i32
          %eq3A_170 = arith.cmpi eq, %select_n3A_169, %select_n3A : i32
          %select_n3A_171 = arith.constant 0 : i32
          %select_n3A_172 = arith.select %eq3A_170, %select_n3A_171, %select_n3A_169 : i32
          %add3A_173 = arith.addi %select_n3A_172, %select_n3A_14 : i32
          %add3A_174 = arith.constant 1 : i32
          %add3A_175 = arith.addi %select_n3A_172, %add3A_174 : i32
          %select_n3A_176 = arith.constant true
          %select_n3A_177 = arith.select %select_n3A_176, %add3A_175, %select_n3A_172 : i32
          %eq3A_178 = arith.cmpi eq, %select_n3A_177, %select_n3A : i32
          %select_n3A_179 = arith.constant 0 : i32
          %select_n3A_180 = arith.select %eq3A_178, %select_n3A_179, %select_n3A_177 : i32
          %add3A_181 = arith.addi %select_n3A_180, %select_n3A_14 : i32
          %ne3A = arith.cmpi ne, %add3A_155, %add3A_173 : i32
          %or3A = arith.constant false
          %or3A_182 = arith.ori %or3A, %ne3A : i1
          %sub3A_183 = arith.constant 2 : i32
          %sub3A_184 = arith.subi %mul3A_149, %sub3A_183 : i32
          %add3A_185 = arith.constant 1 : i32
          %add3A_186 = arith.addi %sub3A_184, %add3A_185 : i32
          %ge3A = arith.cmpi sge, %while3A_142, %add3A_186 : i32
          %not3A = arith.constant true
          %not3A_187 = arith.xori %ge3A, %not3A : i1
          %and3A = arith.andi %or3A_182, %not3A_187 : i1
          %convert_element_type3A_188 = arith.extui %and3A : i1 to i32
          %cond3A_189 = arith.constant 0 : i32
          %cond3A_190 = arith.cmpi ne, %convert_element_type3A_188, %cond3A_189 : i32
          scf.if %cond3A_190 {
            "tpu.trace_start"() <{level = 10 : i32, message = "ep_copy_in"}> : () -> ()
            %rem3A_294 = arith.constant 2 : i32
            %rem3A_295 = arith.remui %while3A_143, %rem3A_294 : i32
            %mul3A_296 = arith.constant 128 : i32
            %mul3A_297 = arith.muli %mul3A_296, %add3A_173 : i32
            %dma_start3A_298 = arith.constant 0 : i32
            %dma_start3A_299 = arith.constant 0 : i32
            %dma_start3A_300 = tpu.memref_slice %run_scoped3A[%rem3A_295, %dma_start3A_298, %dma_start3A_299] : memref<2x1x128xi32, #tpu.memory_space<vmem>> -> memref<1x1x128xi32, #tpu.memory_space<vmem>>
            %dma_start3A_301 = tpu.memref_squeeze %dma_start3A_300 : memref<1x1x128xi32, #tpu.memory_space<vmem>> -> memref<1x128xi32, #tpu.memory_space<vmem>>
            %dma_start3A_302 = arith.constant 0 : i32
            %dma_start3A_303 = tpu.memref_slice %arg3[%dma_start3A_302, %mul3A_297] : memref<1x80000xi32, #tpu.memory_space<hbm>> -> memref<1x128xi32, #tpu.memory_space<hbm>>
            %dma_start3A_304 = tpu.memref_slice %run_scoped3A_17[%rem3A_295] : memref<2x!tpu.dma_semaphore, #tpu.memory_space<semaphore_mem>> -> memref<1x!tpu.dma_semaphore, #tpu.memory_space<semaphore_mem>>
            %dma_start3A_305 = tpu.memref_squeeze %dma_start3A_304 : memref<1x!tpu.dma_semaphore, #tpu.memory_space<semaphore_mem>> -> memref<!tpu.dma_semaphore, #tpu.memory_space<semaphore_mem>>
            %dma_start3A_306 = arith.constant 0 : i32
            %dma_start3A_307 = arith.constant 0 : i32
            %dma_start3A_308 = tpu.memref_slice %run_scoped3A[%rem3A_295, %dma_start3A_306, %dma_start3A_307] : memref<2x1x128xi32, #tpu.memory_space<vmem>> -> memref<1x1x128xi32, #tpu.memory_space<vmem>>
            %dma_start3A_309 = tpu.memref_squeeze %dma_start3A_308 : memref<1x1x128xi32, #tpu.memory_space<vmem>> -> memref<1x128xi32, #tpu.memory_space<vmem>>
            %dma_start3A_310 = arith.constant 0 : i32
            %dma_start3A_311 = tpu.memref_slice %arg3[%dma_start3A_310, %mul3A_297] : memref<1x80000xi32, #tpu.memory_space<hbm>> -> memref<1x128xi32, #tpu.memory_space<hbm>>
            tpu.enqueue_dma source(%dma_start3A_311 : memref<1x128xi32, #tpu.memory_space<hbm>>) target(%dma_start3A_309 : memref<1x128xi32, #tpu.memory_space<vmem>>) target_semaphore(%dma_start3A_305 : memref<!tpu.dma_semaphore, #tpu.memory_space<semaphore_mem>>)
            "tpu.trace_stop"() : () -> ()
          } else {
          }
          %and3A_191 = arith.constant true
          %and3A_192 = arith.andi %and3A, %and3A_191 : i1
          %add3A_193 = arith.constant 1 : i32
          %add3A_194 = arith.addi %while3A_143, %add3A_193 : i32
          %select_n3A_195 = arith.select %and3A_192, %add3A_194, %while3A_143 : i32
          %ne3A_196 = arith.cmpi ne, %add3A_155, %add3A_173 : i32
          %or3A_197 = arith.constant false
          %or3A_198 = arith.ori %or3A_197, %ne3A_196 : i1
          %or3A_199 = arith.constant false
          %or3A_200 = arith.ori %or3A_198, %or3A_199 : i1
          %sub3A_201 = arith.constant 2 : i32
          %sub3A_202 = arith.subi %mul3A_149, %sub3A_201 : i32
          %add3A_203 = arith.constant 1 : i32
          %add3A_204 = arith.addi %sub3A_202, %add3A_203 : i32
          %ge3A_205 = arith.cmpi sge, %while3A_142, %add3A_204 : i32
          %not3A_206 = arith.constant true
          %not3A_207 = arith.xori %ge3A_205, %not3A_206 : i1
          %and3A_208 = arith.andi %or3A_200, %not3A_207 : i1
          %ne3A_209 = arith.cmpi ne, %add3A_155, %add3A_165 : i32
          %or3A_210 = arith.constant false
          %or3A_211 = arith.ori %or3A_210, %ne3A_209 : i1
          %or3A_212 = arith.ori %or3A_211, %eq3A_151 : i1
          %convert_element_type3A_213 = arith.extui %or3A_212 : i1 to i32
          %cond3A_214 = arith.constant 0 : i32
          %cond3A_215 = arith.cmpi ne, %convert_element_type3A_213, %cond3A_214 : i32
          scf.if %cond3A_215 {
            "tpu.trace_start"() <{level = 10 : i32, message = "ep_wait_in"}> : () -> ()
            %mul3A_294 = arith.constant 128 : i32
            %mul3A_295 = arith.muli %mul3A_294, %add3A_155 : i32
            %rem3A_296 = arith.constant 2 : i32
            %rem3A_297 = arith.remui %while3A_144, %rem3A_296 : i32
            %dma_wait3A = arith.constant 0 : i32
            %dma_wait3A_298 = arith.constant 0 : i32
            %dma_wait3A_299 = tpu.memref_slice %run_scoped3A[%rem3A_297, %dma_wait3A, %dma_wait3A_298] : memref<2x1x128xi32, #tpu.memory_space<vmem>> -> memref<1x1x128xi32, #tpu.memory_space<vmem>>
            %dma_wait3A_300 = tpu.memref_squeeze %dma_wait3A_299 : memref<1x1x128xi32, #tpu.memory_space<vmem>> -> memref<1x128xi32, #tpu.memory_space<vmem>>
            %dma_wait3A_301 = arith.constant 0 : i32
            %dma_wait3A_302 = tpu.memref_slice %arg3[%dma_wait3A_301, %mul3A_295] : memref<1x80000xi32, #tpu.memory_space<hbm>> -> memref<1x128xi32, #tpu.memory_space<hbm>>
            %dma_wait3A_303 = tpu.memref_slice %run_scoped3A_17[%rem3A_297] : memref<2x!tpu.dma_semaphore, #tpu.memory_space<semaphore_mem>> -> memref<1x!tpu.dma_semaphore, #tpu.memory_space<semaphore_mem>>
            %dma_wait3A_304 = tpu.memref_squeeze %dma_wait3A_303 : memref<1x!tpu.dma_semaphore, #tpu.memory_space<semaphore_mem>> -> memref<!tpu.dma_semaphore, #tpu.memory_space<semaphore_mem>>
            %dma_wait3A_305 = arith.constant 0 : i32
            %dma_wait3A_306 = arith.constant 0 : i32
            %dma_wait3A_307 = tpu.memref_slice %run_scoped3A[%rem3A_297, %dma_wait3A_305, %dma_wait3A_306] : memref<2x1x128xi32, #tpu.memory_space<vmem>> -> memref<1x1x128xi32, #tpu.memory_space<vmem>>
            %dma_wait3A_308 = tpu.memref_squeeze %dma_wait3A_307 : memref<1x1x128xi32, #tpu.memory_space<vmem>> -> memref<1x128xi32, #tpu.memory_space<vmem>>
            %dma_wait3A_309 = arith.constant 0 : i32
            %dma_wait3A_310 = tpu.memref_slice %arg3[%dma_wait3A_309, %mul3A_295] : memref<1x80000xi32, #tpu.memory_space<hbm>> -> memref<1x128xi32, #tpu.memory_space<hbm>>
            tpu.wait_dma2 semaphore(%dma_wait3A_304 : memref<!tpu.dma_semaphore, #tpu.memory_space<semaphore_mem>>) src(%dma_wait3A_310 : memref<1x128xi32, #tpu.memory_space<hbm>>) dst(%dma_wait3A_308 : memref<1x128xi32, #tpu.memory_space<vmem>>)
            "tpu.trace_stop"() : () -> ()
          } else {
          }
          %ne3A_216 = arith.cmpi ne, %add3A_155, %add3A_165 : i32
          %or3A_217 = arith.constant false
          %or3A_218 = arith.ori %or3A_217, %ne3A_216 : i1
          %or3A_219 = arith.constant false
          %or3A_220 = arith.ori %or3A_218, %or3A_219 : i1
          %or3A_221 = arith.ori %or3A_220, %eq3A_151 : i1
          %convert_element_type3A_222 = arith.extui %or3A_221 : i1 to i32
          %cond3A_223 = arith.constant 0 : i32
          %cond3A_224 = arith.cmpi ne, %convert_element_type3A_222, %cond3A_223 : i32
          scf.if %cond3A_224 {
          } else {
          }
          %rem3A_225 = arith.constant 2 : i32
          %rem3A_226 = arith.remui %while3A_144, %rem3A_225 : i32
          %rem3A_227 = arith.constant 2 : i32
          %rem3A_228 = arith.remui %while3A_145, %rem3A_227 : i32
          %run_scoped3A_229 = arith.constant 0 : i32
          "tpu.trace_start"() <{level = 10 : i32, message = "ep_run_kernel"}> : () -> ()
          "tpu.region"() ({
            %run_scoped3A_294 = tpu.sem_alloc : memref<!tpu.dma_semaphore, #tpu.memory_space<semaphore_mem>>
            %dma_start3A_295 = arith.constant 0 : i32
            %dma_start3A_296 = arith.constant 0 : i32
            %dma_start3A_297 = tpu.memref_slice %run_scoped3A_18[%rem3A_228, %dma_start3A_295, %dma_start3A_296] : memref<2x128x128xf32, #tpu.memory_space<vmem>> -> memref<1x128x128xf32, #tpu.memory_space<vmem>>
            %dma_start3A_298 = tpu.memref_squeeze %dma_start3A_297 : memref<1x128x128xf32, #tpu.memory_space<vmem>> -> memref<128x128xf32, #tpu.memory_space<vmem>>
            %dma_start3A_299 = arith.constant 0 : i32
            %dma_start3A_300 = arith.constant 0 : i32
            %dma_start3A_301 = tpu.memref_slice %run_scoped3A[%rem3A_226, %dma_start3A_299, %dma_start3A_300] : memref<2x1x128xi32, #tpu.memory_space<vmem>> -> memref<1x1x128xi32, #tpu.memory_space<vmem>>
            %dma_start3A_302 = tpu.memref_squeeze %dma_start3A_301 : memref<1x1x128xi32, #tpu.memory_space<vmem>> -> memref<1x128xi32, #tpu.memory_space<vmem>>
            %dma_start3A_303 = arith.constant 0 : i32
            %dma_start3A_304 = tpu.memref_slice %dma_start3A_302[%run_scoped3A_229, %dma_start3A_303] : memref<1x128xi32, #tpu.memory_space<vmem>> -> memref<1x128xi32, #tpu.memory_space<vmem>>
            %dma_start3A_305 = tpu.memref_squeeze %dma_start3A_304 : memref<1x128xi32, #tpu.memory_space<vmem>> -> memref<128xi32, #tpu.memory_space<vmem>>
            %dma_start3A_306 = arith.constant 0 : i32
            %dma_start3A_307 = arith.constant 0 : i32
            %dma_start3A_308 = tpu.memref_slice %arg2[%dma_start3A_306, %dma_start3A_307] : memref<10000x128xf32, #tpu.memory_space<hbm>> -> memref<10000x128xf32, #tpu.memory_space<hbm>>
            tpu.enqueue_indirect_dma source(%dma_start3A_308 : memref<10000x128xf32, #tpu.memory_space<hbm>>) target(%dma_start3A_298 : memref<128x128xf32, #tpu.memory_space<vmem>>) offsets(%dma_start3A_305 : memref<128xi32, #tpu.memory_space<vmem>>) semaphore(%run_scoped3A_294 : memref<!tpu.dma_semaphore, #tpu.memory_space<semaphore_mem>>)
            %dma_wait3A = arith.constant 0 : i32
            %dma_wait3A_309 = arith.constant 0 : i32
            %dma_wait3A_310 = tpu.memref_slice %run_scoped3A_18[%rem3A_228, %dma_wait3A, %dma_wait3A_309] : memref<2x128x128xf32, #tpu.memory_space<vmem>> -> memref<1x128x128xf32, #tpu.memory_space<vmem>>
            %dma_wait3A_311 = tpu.memref_squeeze %dma_wait3A_310 : memref<1x128x128xf32, #tpu.memory_space<vmem>> -> memref<128x128xf32, #tpu.memory_space<vmem>>
            %dma_wait3A_312 = arith.constant 0 : i32
            %dma_wait3A_313 = arith.constant 0 : i32
            %dma_wait3A_314 = tpu.memref_slice %run_scoped3A[%rem3A_226, %dma_wait3A_312, %dma_wait3A_313] : memref<2x1x128xi32, #tpu.memory_space<vmem>> -> memref<1x1x128xi32, #tpu.memory_space<vmem>>
            %dma_wait3A_315 = tpu.memref_squeeze %dma_wait3A_314 : memref<1x1x128xi32, #tpu.memory_space<vmem>> -> memref<1x128xi32, #tpu.memory_space<vmem>>
            %dma_wait3A_316 = arith.constant 0 : i32
            %dma_wait3A_317 = tpu.memref_slice %dma_wait3A_315[%run_scoped3A_229, %dma_wait3A_316] : memref<1x128xi32, #tpu.memory_space<vmem>> -> memref<1x128xi32, #tpu.memory_space<vmem>>
            %dma_wait3A_318 = tpu.memref_squeeze %dma_wait3A_317 : memref<1x128xi32, #tpu.memory_space<vmem>> -> memref<128xi32, #tpu.memory_space<vmem>>
            %dma_wait3A_319 = arith.constant 0 : i32
            %dma_wait3A_320 = arith.constant 0 : i32
            %dma_wait3A_321 = tpu.memref_slice %arg2[%dma_wait3A_319, %dma_wait3A_320] : memref<10000x128xf32, #tpu.memory_space<hbm>> -> memref<10000x128xf32, #tpu.memory_space<hbm>>
            tpu.wait_indirect_dma semaphore(%run_scoped3A_294 : memref<!tpu.dma_semaphore, #tpu.memory_space<semaphore_mem>>) src(%dma_wait3A_321 : memref<10000x128xf32, #tpu.memory_space<hbm>>) dst(%dma_wait3A_311 : memref<128x128xf32, #tpu.memory_space<vmem>>)
            tpu.yield
          }) : () -> ()
          "tpu.trace_stop"() : () -> ()
          %ne3A_230 = arith.cmpi ne, %add3A_155, %add3A_173 : i32
          %or3A_231 = arith.constant false
          %or3A_232 = arith.ori %or3A_231, %ne3A_230 : i1
          %or3A_233 = arith.ori %or3A_232, %eq3A_154 : i1
          %convert_element_type3A_234 = arith.extui %or3A_233 : i1 to i32
          %cond3A_235 = arith.constant 0 : i32
          %cond3A_236 = arith.cmpi ne, %convert_element_type3A_234, %cond3A_235 : i32
          scf.if %cond3A_236 {
          } else {
          }
          %and3A_237 = arith.constant false
          %and3A_238 = arith.andi %or3A_233, %and3A_237 : i1
          %ne3A_239 = arith.cmpi ne, %add3A_155, %add3A_173 : i32
          %or3A_240 = arith.constant false
          %or3A_241 = arith.ori %or3A_240, %ne3A_239 : i1
          %or3A_242 = arith.constant false
          %or3A_243 = arith.ori %or3A_241, %or3A_242 : i1
          %or3A_244 = arith.ori %or3A_243, %eq3A_154 : i1
          %convert_element_type3A_245 = arith.extui %or3A_244 : i1 to i32
          %cond3A_246 = arith.constant 0 : i32
          %cond3A_247 = arith.cmpi ne, %convert_element_type3A_245, %cond3A_246 : i32
          scf.if %cond3A_247 {
            "tpu.trace_start"() <{level = 10 : i32, message = "ep_copy_out"}> : () -> ()
            %rem3A_294 = arith.constant 2 : i32
            %rem3A_295 = arith.remui %while3A_145, %rem3A_294 : i32
            %mul3A_296 = arith.constant 128 : i32
            %mul3A_297 = arith.muli %mul3A_296, %add3A_155 : i32
            %dma_start3A_298 = arith.constant 0 : i32
            %dma_start3A_299 = arith.constant 0 : i32
            %dma_start3A_300 = tpu.memref_slice %run_scoped3A_18[%rem3A_295, %dma_start3A_298, %dma_start3A_299] : memref<2x128x128xf32, #tpu.memory_space<vmem>> -> memref<1x128x128xf32, #tpu.memory_space<vmem>>
            %dma_start3A_301 = tpu.memref_squeeze %dma_start3A_300 : memref<1x128x128xf32, #tpu.memory_space<vmem>> -> memref<128x128xf32, #tpu.memory_space<vmem>>
            %dma_start3A_302 = arith.constant 0 : i32
            %dma_start3A_303 = tpu.memref_slice %arg4[%mul3A_297, %dma_start3A_302] : memref<80000x128xf32, #tpu.memory_space<hbm>> -> memref<128x128xf32, #tpu.memory_space<hbm>>
            %dma_start3A_304 = tpu.memref_slice %run_scoped3A_19[%rem3A_295] : memref<2x!tpu.dma_semaphore, #tpu.memory_space<semaphore_mem>> -> memref<1x!tpu.dma_semaphore, #tpu.memory_space<semaphore_mem>>
            %dma_start3A_305 = tpu.memref_squeeze %dma_start3A_304 : memref<1x!tpu.dma_semaphore, #tpu.memory_space<semaphore_mem>> -> memref<!tpu.dma_semaphore, #tpu.memory_space<semaphore_mem>>
            %dma_start3A_306 = arith.constant 0 : i32
            %dma_start3A_307 = tpu.memref_slice %arg4[%mul3A_297, %dma_start3A_306] : memref<80000x128xf32, #tpu.memory_space<hbm>> -> memref<128x128xf32, #tpu.memory_space<hbm>>
            %dma_start3A_308 = arith.constant 0 : i32
            %dma_start3A_309 = arith.constant 0 : i32
            %dma_start3A_310 = tpu.memref_slice %run_scoped3A_18[%rem3A_295, %dma_start3A_308, %dma_start3A_309] : memref<2x128x128xf32, #tpu.memory_space<vmem>> -> memref<1x128x128xf32, #tpu.memory_space<vmem>>
            %dma_start3A_311 = tpu.memref_squeeze %dma_start3A_310 : memref<1x128x128xf32, #tpu.memory_space<vmem>> -> memref<128x128xf32, #tpu.memory_space<vmem>>
            tpu.enqueue_dma source(%dma_start3A_311 : memref<128x128xf32, #tpu.memory_space<vmem>>) target(%dma_start3A_307 : memref<128x128xf32, #tpu.memory_space<hbm>>) target_semaphore(%dma_start3A_305 : memref<!tpu.dma_semaphore, #tpu.memory_space<semaphore_mem>>)
            "tpu.trace_stop"() : () -> ()
          } else {
          }
          %and3A_248 = arith.constant true
          %and3A_249 = arith.andi %or3A_244, %and3A_248 : i1
          %add3A_250 = arith.constant 1 : i32
          %add3A_251 = arith.addi %while3A_145, %add3A_250 : i32
          %select_n3A_252 = arith.select %and3A_249, %add3A_251, %while3A_145 : i32
          %ne3A_253 = arith.cmpi ne, %add3A_155, %add3A_165 : i32
          %or3A_254 = arith.constant false
          %or3A_255 = arith.ori %or3A_254, %ne3A_253 : i1
          %not3A_256 = arith.constant true
          %not3A_257 = arith.xori %eq3A_151, %not3A_256 : i1
          %and3A_258 = arith.andi %or3A_255, %not3A_257 : i1
          %convert_element_type3A_259 = arith.extui %and3A_258 : i1 to i32
          %cond3A_260 = arith.constant 0 : i32
          %cond3A_261 = arith.cmpi ne, %convert_element_type3A_259, %cond3A_260 : i32
          scf.if %cond3A_261 {
          } else {
          }
          %and3A_262 = arith.constant false
          %and3A_263 = arith.andi %and3A_258, %and3A_262 : i1
          %ne3A_264 = arith.cmpi ne, %add3A_155, %add3A_165 : i32
          %or3A_265 = arith.constant false
          %or3A_266 = arith.ori %or3A_265, %ne3A_264 : i1
          %or3A_267 = arith.constant false
          %or3A_268 = arith.ori %or3A_266, %or3A_267 : i1
          %not3A_269 = arith.constant true
          %not3A_270 = arith.xori %eq3A_151, %not3A_269 : i1
          %and3A_271 = arith.andi %or3A_268, %not3A_270 : i1
          %convert_element_type3A_272 = arith.extui %and3A_271 : i1 to i32
          %cond3A_273 = arith.constant 0 : i32
          %cond3A_274 = arith.cmpi ne, %convert_element_type3A_272, %cond3A_273 : i32
          scf.if %cond3A_274 {
            "tpu.trace_start"() <{level = 10 : i32, message = "ep_wait_out"}> : () -> ()
            %rem3A_294 = arith.constant 2 : i32
            %rem3A_295 = arith.remui %while3A_146, %rem3A_294 : i32
            %mul3A_296 = arith.constant 128 : i32
            %mul3A_297 = arith.muli %mul3A_296, %add3A_165 : i32
            %dma_wait3A = arith.constant 0 : i32
            %dma_wait3A_298 = arith.constant 0 : i32
            %dma_wait3A_299 = tpu.memref_slice %run_scoped3A_18[%rem3A_295, %dma_wait3A, %dma_wait3A_298] : memref<2x128x128xf32, #tpu.memory_space<vmem>> -> memref<1x128x128xf32, #tpu.memory_space<vmem>>
            %dma_wait3A_300 = tpu.memref_squeeze %dma_wait3A_299 : memref<1x128x128xf32, #tpu.memory_space<vmem>> -> memref<128x128xf32, #tpu.memory_space<vmem>>
            %dma_wait3A_301 = arith.constant 0 : i32
            %dma_wait3A_302 = tpu.memref_slice %arg4[%mul3A_297, %dma_wait3A_301] : memref<80000x128xf32, #tpu.memory_space<hbm>> -> memref<128x128xf32, #tpu.memory_space<hbm>>
            %dma_wait3A_303 = tpu.memref_slice %run_scoped3A_19[%rem3A_295] : memref<2x!tpu.dma_semaphore, #tpu.memory_space<semaphore_mem>> -> memref<1x!tpu.dma_semaphore, #tpu.memory_space<semaphore_mem>>
            %dma_wait3A_304 = tpu.memref_squeeze %dma_wait3A_303 : memref<1x!tpu.dma_semaphore, #tpu.memory_space<semaphore_mem>> -> memref<!tpu.dma_semaphore, #tpu.memory_space<semaphore_mem>>
            %dma_wait3A_305 = arith.constant 0 : i32
            %dma_wait3A_306 = tpu.memref_slice %arg4[%mul3A_297, %dma_wait3A_305] : memref<80000x128xf32, #tpu.memory_space<hbm>> -> memref<128x128xf32, #tpu.memory_space<hbm>>
            %dma_wait3A_307 = arith.constant 0 : i32
            %dma_wait3A_308 = arith.constant 0 : i32
            %dma_wait3A_309 = tpu.memref_slice %run_scoped3A_18[%rem3A_295, %dma_wait3A_307, %dma_wait3A_308] : memref<2x128x128xf32, #tpu.memory_space<vmem>> -> memref<1x128x128xf32, #tpu.memory_space<vmem>>
            %dma_wait3A_310 = tpu.memref_squeeze %dma_wait3A_309 : memref<1x128x128xf32, #tpu.memory_space<vmem>> -> memref<128x128xf32, #tpu.memory_space<vmem>>
            tpu.wait_dma2 semaphore(%dma_wait3A_304 : memref<!tpu.dma_semaphore, #tpu.memory_space<semaphore_mem>>) src(%dma_wait3A_310 : memref<128x128xf32, #tpu.memory_space<vmem>>) dst(%dma_wait3A_306 : memref<128x128xf32, #tpu.memory_space<hbm>>)
            "tpu.trace_stop"() : () -> ()
          } else {
          }
          %and3A_275 = arith.constant true
          %and3A_276 = arith.andi %and3A_271, %and3A_275 : i1
          %add3A_277 = arith.constant 1 : i32
          %add3A_278 = arith.addi %while3A_146, %add3A_277 : i32
          %select_n3A_279 = arith.select %and3A_276, %add3A_278, %while3A_146 : i32
          %ne3A_280 = arith.cmpi ne, %add3A_155, %add3A_173 : i32
          %or3A_281 = arith.constant false
          %or3A_282 = arith.ori %or3A_281, %ne3A_280 : i1
          %or3A_283 = arith.ori %or3A_282, %eq3A_154 : i1
          %add3A_284 = arith.constant 1 : i32
          %add3A_285 = arith.addi %while3A_144, %add3A_284 : i32
          %select_n3A_286 = arith.select %or3A_283, %add3A_285, %while3A_144 : i32
          %add3A_287 = arith.constant 1 : i32
          %add3A_288 = arith.addi %while3A_147, %add3A_287 : i32
          %select_n3A_289 = arith.constant true
          %select_n3A_290 = arith.select %select_n3A_289, %add3A_288, %while3A_147 : i32
          %eq3A_291 = arith.cmpi eq, %select_n3A_290, %select_n3A : i32
          %select_n3A_292 = arith.constant 0 : i32
          %select_n3A_293 = arith.select %eq3A_291, %select_n3A_292, %select_n3A_290 : i32
          scf.yield %select_n3A_195, %select_n3A_286, %select_n3A_252, %select_n3A_279, %select_n3A_293 : i32, i32, i32, i32, i32
        }
        %sub3A_91 = arith.constant 1 : i32
        %sub3A_92 = arith.subi %while3A_90#4, %sub3A_91 : i32
        %select_n3A_93 = arith.constant true
        %select_n3A_94 = arith.select %select_n3A_93, %sub3A_92, %while3A_90#4 : i32
        %eq3A_95 = arith.constant -1 : i32
        %eq3A_96 = arith.cmpi eq, %select_n3A_94, %eq3A_95 : i32
        %sub3A_97 = arith.constant 1 : i32
        %sub3A_98 = arith.subi %select_n3A, %sub3A_97 : i32
        %select_n3A_99 = arith.select %eq3A_96, %sub3A_98, %select_n3A_94 : i32
        %sub3A_100 = arith.constant 1 : i32
        %sub3A_101 = arith.subi %mul3A_16, %sub3A_100 : i32
        %mul3A_102 = arith.constant 1 : i32
        %mul3A_103 = arith.muli %mul3A_102, %select_n3A : i32
        %eq3A_104 = arith.constant 0 : i32
        %eq3A_105 = arith.cmpi eq, %sub3A_101, %eq3A_104 : i32
        %sub3A_106 = arith.constant 1 : i32
        %sub3A_107 = arith.subi %mul3A_103, %sub3A_106 : i32
        %eq3A_108 = arith.cmpi eq, %sub3A_101, %sub3A_107 : i32
        %add3A_109 = arith.addi %select_n3A_99, %select_n3A_14 : i32
        %sub3A_110 = arith.constant 1 : i32
        %sub3A_111 = arith.subi %select_n3A_99, %sub3A_110 : i32
        %select_n3A_112 = arith.constant true
        %select_n3A_113 = arith.select %select_n3A_112, %sub3A_111, %select_n3A_99 : i32
        %eq3A_114 = arith.constant -1 : i32
        %eq3A_115 = arith.cmpi eq, %select_n3A_113, %eq3A_114 : i32
        %sub3A_116 = arith.constant 1 : i32
        %sub3A_117 = arith.subi %select_n3A, %sub3A_116 : i32
        %select_n3A_118 = arith.select %eq3A_115, %sub3A_117, %select_n3A_113 : i32
        %add3A_119 = arith.addi %select_n3A_118, %select_n3A_14 : i32
        %add3A_120 = arith.constant 1 : i32
        %add3A_121 = arith.addi %select_n3A_99, %add3A_120 : i32
        %select_n3A_122 = arith.constant true
        %select_n3A_123 = arith.select %select_n3A_122, %add3A_121, %select_n3A_99 : i32
        %eq3A_124 = arith.cmpi eq, %select_n3A_123, %select_n3A : i32
        %select_n3A_125 = arith.constant 0 : i32
        %select_n3A_126 = arith.select %eq3A_124, %select_n3A_125, %select_n3A_123 : i32
        %add3A_127 = arith.addi %select_n3A_126, %select_n3A_14 : i32
        %add3A_128 = arith.constant 1 : i32
        %add3A_129 = arith.addi %select_n3A_126, %add3A_128 : i32
        %select_n3A_130 = arith.constant true
        %select_n3A_131 = arith.select %select_n3A_130, %add3A_129, %select_n3A_126 : i32
        %eq3A_132 = arith.cmpi eq, %select_n3A_131, %select_n3A : i32
        %select_n3A_133 = arith.constant 0 : i32
        %select_n3A_134 = arith.select %eq3A_132, %select_n3A_133, %select_n3A_131 : i32
        %add3A_135 = arith.addi %select_n3A_134, %select_n3A_14 : i32
        %convert_element_type3A_136 = arith.extui %eq3A_108 : i1 to i32
        %cond3A_137 = arith.constant 0 : i32
        %cond3A_138 = arith.cmpi ne, %convert_element_type3A_136, %cond3A_137 : i32
        scf.if %cond3A_138 {
        } else {
        }
        %convert_element_type3A_139 = arith.extui %eq3A_108 : i1 to i32
        %cond3A_140 = arith.constant 0 : i32
        %cond3A_141 = arith.cmpi ne, %convert_element_type3A_139, %cond3A_140 : i32
        scf.if %cond3A_141 {
          "tpu.trace_start"() <{level = 10 : i32, message = "ep_finalize"}> : () -> ()
          %rem3A_142 = arith.constant 2 : i32
          %rem3A_143 = arith.remui %while3A_90#3, %rem3A_142 : i32
          %mul3A_144 = arith.constant 128 : i32
          %mul3A_145 = arith.muli %mul3A_144, %add3A_109 : i32
          %dma_wait3A = arith.constant 0 : i32
          %dma_wait3A_146 = arith.constant 0 : i32
          %dma_wait3A_147 = tpu.memref_slice %run_scoped3A_18[%rem3A_143, %dma_wait3A, %dma_wait3A_146] : memref<2x128x128xf32, #tpu.memory_space<vmem>> -> memref<1x128x128xf32, #tpu.memory_space<vmem>>
          %dma_wait3A_148 = tpu.memref_squeeze %dma_wait3A_147 : memref<1x128x128xf32, #tpu.memory_space<vmem>> -> memref<128x128xf32, #tpu.memory_space<vmem>>
          %dma_wait3A_149 = arith.constant 0 : i32
          %dma_wait3A_150 = tpu.memref_slice %arg4[%mul3A_145, %dma_wait3A_149] : memref<80000x128xf32, #tpu.memory_space<hbm>> -> memref<128x128xf32, #tpu.memory_space<hbm>>
          %dma_wait3A_151 = tpu.memref_slice %run_scoped3A_19[%rem3A_143] : memref<2x!tpu.dma_semaphore, #tpu.memory_space<semaphore_mem>> -> memref<1x!tpu.dma_semaphore, #tpu.memory_space<semaphore_mem>>
          %dma_wait3A_152 = tpu.memref_squeeze %dma_wait3A_151 : memref<1x!tpu.dma_semaphore, #tpu.memory_space<semaphore_mem>> -> memref<!tpu.dma_semaphore, #tpu.memory_space<semaphore_mem>>
          %dma_wait3A_153 = arith.constant 0 : i32
          %dma_wait3A_154 = tpu.memref_slice %arg4[%mul3A_145, %dma_wait3A_153] : memref<80000x128xf32, #tpu.memory_space<hbm>> -> memref<128x128xf32, #tpu.memory_space<hbm>>
          %dma_wait3A_155 = arith.constant 0 : i32
          %dma_wait3A_156 = arith.constant 0 : i32
          %dma_wait3A_157 = tpu.memref_slice %run_scoped3A_18[%rem3A_143, %dma_wait3A_155, %dma_wait3A_156] : memref<2x128x128xf32, #tpu.memory_space<vmem>> -> memref<1x128x128xf32, #tpu.memory_space<vmem>>
          %dma_wait3A_158 = tpu.memref_squeeze %dma_wait3A_157 : memref<1x128x128xf32, #tpu.memory_space<vmem>> -> memref<128x128xf32, #tpu.memory_space<vmem>>
          tpu.wait_dma2 semaphore(%dma_wait3A_152 : memref<!tpu.dma_semaphore, #tpu.memory_space<semaphore_mem>>) src(%dma_wait3A_158 : memref<128x128xf32, #tpu.memory_space<vmem>>) dst(%dma_wait3A_154 : memref<128x128xf32, #tpu.memory_space<hbm>>)
          "tpu.trace_stop"() : () -> ()
        } else {
        }
      } else {
      }
      tpu.yield
    }) : () -> ()
    return
  }
}

module attributes {stable_mosaic.version = 14 : i64} {
  func.func @_prep_body(%arg0: i32, %arg1: memref<400x128xf32, #tpu.memory_space<vmem>>, %arg2: memref<128x128xf32, #tpu.memory_space<vmem>>, %arg3: memref<128x128xf32, #tpu.memory_space<vmem>>, %arg4: memref<1x128xf32, #tpu.memory_space<vmem>>, %arg5: memref<400x128xf32, #tpu.memory_space<vmem>>, %arg6: memref<400x128xf32, #tpu.memory_space<vmem>>, %arg7: memref<400x128xf32, #tpu.memory_space<vmem>>, %arg8: memref<400x1xf32, #tpu.memory_space<vmem>>) attributes {dimension_semantics = [#tpu.dimension_semantics<arbitrary>], iteration_bounds = array<i64: 25>, scalar_prefetch = 0 : i64, scratch_operands = 0 : i64, tpu.core_type = #tpu.core_type<tc>, window_params = [{transform_indices = @transform_0, window_bounds = array<i64: 400, 128>}, {pipeline_mode = #tpu.pipeline_mode<synchronous>, transform_indices = @transform_1, window_bounds = array<i64: 128, 128>}, {pipeline_mode = #tpu.pipeline_mode<synchronous>, transform_indices = @transform_2, window_bounds = array<i64: 128, 128>}, {pipeline_mode = #tpu.pipeline_mode<synchronous>, transform_indices = @transform_3, window_bounds = array<i64: 1, 128>}, {transform_indices = @transform_4, window_bounds = array<i64: 400, 128>}, {transform_indices = @transform_5, window_bounds = array<i64: 400, 128>}, {transform_indices = @transform_6, window_bounds = array<i64: 400, 128>}, {transform_indices = @transform_7, window_bounds = array<i64: 400, 1>}]} {
    %get3A = arith.constant 0 : index
    %get3A_0 = arith.constant 0 : index
    %get3A_1 = vector.load %arg1[%get3A, %get3A_0] : memref<400x128xf32, #tpu.memory_space<vmem>>, vector<400x128xf32>
    %mul3A = arith.mulf %get3A_1, %get3A_1 : vector<400x128xf32>
    %reduce_sum3A = arith.constant dense<0.000000e+00> : vector<400xf32>
    %reduce_sum3A_2 = vector.multi_reduction <add>, %mul3A, %reduce_sum3A [1] : vector<400x128xf32> to vector<400xf32>
    %broadcast_in_dim3A = vector.shape_cast %reduce_sum3A_2 : vector<400xf32> to vector<400x1xf32>
    %sqrt3A = math.sqrt %broadcast_in_dim3A : vector<400x1xf32>
    %jit3A = arith.constant 9.99999996E-13 : f32
    %max3A = vector.broadcast %jit3A : f32 to vector<400x1xf32>
    %max3A_3 = arith.maximumf %max3A, %sqrt3A : vector<400x1xf32>
    %div3A = vector.broadcast %max3A_3 : vector<400x1xf32> to vector<400x128xf32>
    %div3A_4 = arith.divf %get3A_1, %div3A : vector<400x128xf32>
    %swap3A = arith.constant 0 : index
    %swap3A_5 = arith.constant 0 : index
    %swap3A_6 = vector.load %arg5[%swap3A, %swap3A_5] : memref<400x128xf32, #tpu.memory_space<vmem>>, vector<400x128xf32>
    tpu.vector_store %arg5[%swap3A, %swap3A_5], %div3A_4 {strides = array<i32>} : memref<400x128xf32, #tpu.memory_space<vmem>>, vector<400x128xf32>,
    %mul3A_7 = arith.mulf %div3A_4, %div3A_4 : vector<400x128xf32>
    %reduce_sum3A_8 = arith.constant dense<0.000000e+00> : vector<400xf32>
    %reduce_sum3A_9 = vector.multi_reduction <add>, %mul3A_7, %reduce_sum3A_8 [1] : vector<400x128xf32> to vector<400xf32>
    %broadcast_in_dim3A_10 = vector.shape_cast %reduce_sum3A_9 : vector<400xf32> to vector<400x1xf32>
    %swap3A_11 = arith.constant 0 : index
    %swap3A_12 = arith.constant 0 : index
    %swap3A_13 = vector.load %arg8[%swap3A_11, %swap3A_12] : memref<400x1xf32, #tpu.memory_space<vmem>>, vector<400x1xf32>
    tpu.vector_store %arg8[%swap3A_11, %swap3A_12], %broadcast_in_dim3A_10 {strides = array<i32>} : memref<400x1xf32, #tpu.memory_space<vmem>>, vector<400x1xf32>,
    %get3A_14 = arith.constant 0 : index
    %get3A_15 = arith.constant 0 : index
    %get3A_16 = vector.load %arg3[%get3A_14, %get3A_15] : memref<128x128xf32, #tpu.memory_space<vmem>>, vector<128x128xf32>
    %dot_general3A = arith.constant dense<0.000000e+00> : vector<400x128xf32>
    %dot_general3A_17 = tpu.matmul %div3A_4, %get3A_16, %dot_general3A {dimension_numbers = #tpu.dot_dimension_numbers<[1], [0], [0], [1], [0, 0, 1, 1], [], []>, transpose_lhs_hint = false} : vector<400x128xf32>, vector<128x128xf32>, vector<400x128xf32> -> vector<400x128xf32>
    %swap3A_18 = arith.constant 0 : index
    %swap3A_19 = arith.constant 0 : index
    %swap3A_20 = vector.load %arg6[%swap3A_18, %swap3A_19] : memref<400x128xf32, #tpu.memory_space<vmem>>, vector<400x128xf32>
    tpu.vector_store %arg6[%swap3A_18, %swap3A_19], %dot_general3A_17 {strides = array<i32>} : memref<400x128xf32, #tpu.memory_space<vmem>>, vector<400x128xf32>,
    %get3A_21 = arith.constant 0 : index
    %get3A_22 = arith.constant 0 : index
    %get3A_23 = vector.load %arg2[%get3A_21, %get3A_22] : memref<128x128xf32, #tpu.memory_space<vmem>>, vector<128x128xf32>
    %get3A_24 = arith.constant 0 : index
    %get3A_25 = arith.constant 0 : index
    %get3A_26 = vector.load %arg3[%get3A_24, %get3A_25] : memref<128x128xf32, #tpu.memory_space<vmem>>, vector<128x128xf32>
    %sub3A = arith.subf %get3A_23, %get3A_26 : vector<128x128xf32>
    %dot_general3A_27 = arith.constant dense<0.000000e+00> : vector<400x128xf32>
    %dot_general3A_28 = tpu.matmul %div3A_4, %sub3A, %dot_general3A_27 {dimension_numbers = #tpu.dot_dimension_numbers<[1], [0], [0], [1], [0, 0, 1, 1], [], []>, transpose_lhs_hint = false} : vector<400x128xf32>, vector<128x128xf32>, vector<400x128xf32> -> vector<400x128xf32>
    %get3A_29 = arith.constant 0 : index
    %get3A_30 = arith.constant 0 : index
    %get3A_31 = vector.load %arg4[%get3A_29, %get3A_30] : memref<1x128xf32, #tpu.memory_space<vmem>>, vector<1x128xf32>
    %add3A = vector.broadcast %get3A_31 : vector<1x128xf32> to vector<400x128xf32>
    %add3A_32 = arith.addf %dot_general3A_28, %add3A : vector<400x128xf32>
    %swap3A_33 = arith.constant 0 : index
    %swap3A_34 = arith.constant 0 : index
    %swap3A_35 = vector.load %arg7[%swap3A_33, %swap3A_34] : memref<400x128xf32, #tpu.memory_space<vmem>>, vector<400x128xf32>
    tpu.vector_store %arg7[%swap3A_33, %swap3A_34], %add3A_32 {strides = array<i32>} : memref<400x128xf32, #tpu.memory_space<vmem>>, vector<400x128xf32>,
    return
  }
  func.func @transform_0(%arg0: i32) -> (i32, i32) {
    %c0_i32 = arith.constant 0 : i32
    %c0_i32_0 = arith.constant 0 : i32
    return %arg0, %c0_i32 : i32, i32
  }
  func.func @transform_1(%arg0: i32) -> (i32, i32) {
    %c0_i32 = arith.constant 0 : i32
    %c0_i32_0 = arith.constant 0 : i32
    %c0_i32_1 = arith.constant 0 : i32
    return %c0_i32, %c0_i32_0 : i32, i32
  }
  func.func @transform_2(%arg0: i32) -> (i32, i32) {
    %c0_i32 = arith.constant 0 : i32
    %c0_i32_0 = arith.constant 0 : i32
    %c0_i32_1 = arith.constant 0 : i32
    return %c0_i32, %c0_i32_0 : i32, i32
  }
  func.func @transform_3(%arg0: i32) -> (i32, i32) {
    %c0_i32 = arith.constant 0 : i32
    %c0_i32_0 = arith.constant 0 : i32
    %c0_i32_1 = arith.constant 0 : i32
    return %c0_i32, %c0_i32_0 : i32, i32
  }
  func.func @transform_4(%arg0: i32) -> (i32, i32) {
    %c0_i32 = arith.constant 0 : i32
    %c0_i32_0 = arith.constant 0 : i32
    return %arg0, %c0_i32 : i32, i32
  }
  func.func @transform_5(%arg0: i32) -> (i32, i32) {
    %c0_i32 = arith.constant 0 : i32
    %c0_i32_0 = arith.constant 0 : i32
    return %arg0, %c0_i32 : i32, i32
  }
  func.func @transform_6(%arg0: i32) -> (i32, i32) {
    %c0_i32 = arith.constant 0 : i32
    %c0_i32_0 = arith.constant 0 : i32
    return %arg0, %c0_i32 : i32, i32
  }
  func.func @transform_7(%arg0: i32) -> (i32, i32) {
    %c0_i32 = arith.constant 0 : i32
    %c0_i32_0 = arith.constant 0 : i32
    return %arg0, %c0_i32 : i32, i32
  }
}

module attributes {stable_mosaic.version = 14 : i64} {
  func.func @_knn_body(%arg0: i32, %arg1: memref<2x25xi32, #tpu.memory_space<smem>>, %arg2: memref<400x128xf32, #tpu.memory_space<vmem>>, %arg3: memref<400x1xi32, #tpu.memory_space<vmem>>, %arg4: memref<20x512x128xf32, #tpu.memory_space<vmem>>, %arg5: memref<20x1x512xi32, #tpu.memory_space<vmem>>, %arg6: memref<20x1x512xf32, #tpu.memory_space<vmem>>, %arg7: memref<400x8xi32, #tpu.memory_space<vmem>>) attributes {dimension_semantics = [#tpu.dimension_semantics<arbitrary>], iteration_bounds = array<i64: 25>, scalar_prefetch = 1 : i64, scratch_operands = 0 : i64, tpu.core_type = #tpu.core_type<tc>, window_params = [{transform_indices = @transform_0, window_bounds = array<i64: 400, 128>}, {transform_indices = @transform_1, window_bounds = array<i64: 400, 1>}, {pipeline_mode = #tpu.pipeline_mode<synchronous>, transform_indices = @transform_2, window_bounds = array<i64: 20, 512, 128>}, {pipeline_mode = #tpu.pipeline_mode<synchronous>, transform_indices = @transform_3, window_bounds = array<i64: 20, 1, 512>}, {pipeline_mode = #tpu.pipeline_mode<synchronous>, transform_indices = @transform_4, window_bounds = array<i64: 20, 1, 512>}, {transform_indices = @transform_5, window_bounds = array<i64: 400, 8>}]} {
    %get3A = arith.constant 0 : index
    %get3A_0 = arith.constant 0 : index
    %get3A_1 = vector.load %arg2[%get3A, %get3A_0] : memref<400x128xf32, #tpu.memory_space<vmem>>, vector<400x128xf32>
    %get3A_2 = arith.constant 0 : index
    %get3A_3 = arith.constant 0 : index
    %get3A_4 = vector.load %arg3[%get3A_2, %get3A_3] : memref<400x1xi32, #tpu.memory_space<vmem>>, vector<400x1xi32>
    %mul3A = arith.mulf %get3A_1, %get3A_1 : vector<400x128xf32>
    %reduce_sum3A = arith.constant dense<0.000000e+00> : vector<400xf32>
    %reduce_sum3A_5 = vector.multi_reduction <add>, %mul3A, %reduce_sum3A [1] : vector<400x128xf32> to vector<400xf32>
    %broadcast_in_dim3A = vector.shape_cast %reduce_sum3A_5 : vector<400xf32> to vector<400x1xf32>
    %get3A_6 = arith.constant 0 : index
    %get3A_7 = arith.index_cast %arg0 : i32 to index
    %get3A_8 = memref.load %arg1[%get3A_6, %get3A_7] : memref<2x25xi32, #tpu.memory_space<smem>>
    %get3A_9 = arith.constant 1 : index
    %get3A_10 = arith.index_cast %arg0 : i32 to index
    %get3A_11 = memref.load %arg1[%get3A_9, %get3A_10] : memref<2x25xi32, #tpu.memory_space<smem>>
    %broadcast_in_dim3A_12 = arith.constant 0x7F800000 : f32
    %broadcast_in_dim3A_13 = vector.broadcast %broadcast_in_dim3A_12 : f32 to vector<400x8xf32>
    %broadcast_in_dim3A_14 = arith.constant 0.000000e+00 : f32
    %broadcast_in_dim3A_15 = vector.broadcast %broadcast_in_dim3A_14 : f32 to vector<400x8xf32>
    %while3A = arith.subi %get3A_11, %get3A_8 : i32
    %while3A_16 = arith.addi %get3A_8, %while3A : i32
    %while3A_17 = arith.constant 1 : i32
    %while3A_18 = arith.divsi %while3A, %while3A_17 : i32
    %while3A_19 = arith.muli %while3A_18, %while3A_17 : i32
    %while3A_20 = arith.addi %get3A_8, %while3A_19 : i32
    %while3A_21 = arith.constant 1 : i32
    %while3A_22:2 = scf.for %while3A_27 = %get3A_8 to %while3A_20 step %while3A_21 iter_args(%while3A_28 = %broadcast_in_dim3A_13, %while3A_29 = %broadcast_in_dim3A_15) -> (vector<400x8xf32>, vector<400x8xf32>)  : i32 {
      %get3A_30 = arith.index_cast %while3A_27 : i32 to index
      %get3A_31 = arith.constant 0 : index
      %get3A_32 = arith.constant 0 : index
      %get3A_33 = vector.load %arg4[%get3A_30, %get3A_31, %get3A_32] : memref<20x512x128xf32, #tpu.memory_space<vmem>>, vector<1x512x128xf32>
      %get3A_34 = vector.shape_cast %get3A_33 : vector<1x512x128xf32> to vector<512x128xf32>
      %get3A_35 = arith.index_cast %while3A_27 : i32 to index
      %get3A_36 = arith.constant 0 : index
      %get3A_37 = arith.constant 0 : index
      %get3A_38 = vector.load %arg5[%get3A_35, %get3A_36, %get3A_37] : memref<20x1x512xi32, #tpu.memory_space<vmem>>, vector<1x1x512xi32>
      %get3A_39 = vector.shape_cast %get3A_38 : vector<1x1x512xi32> to vector<1x512xi32>
      %dot_general3A = arith.constant dense<0.000000e+00> : vector<400x512xf32>
      %dot_general3A_40 = tpu.matmul %get3A_1, %get3A_34, %dot_general3A {dimension_numbers = #tpu.dot_dimension_numbers<[1], [1], [0], [0], [0, 0, 1, 0], [], []>, transpose_lhs_hint = false} : vector<400x128xf32>, vector<512x128xf32>, vector<400x512xf32> -> vector<400x512xf32>
      %get3A_41 = arith.index_cast %while3A_27 : i32 to index
      %get3A_42 = arith.constant 0 : index
      %get3A_43 = arith.constant 0 : index
      %get3A_44 = vector.load %arg6[%get3A_41, %get3A_42, %get3A_43] : memref<20x1x512xf32, #tpu.memory_space<vmem>>, vector<1x1x512xf32>
      %get3A_45 = vector.shape_cast %get3A_44 : vector<1x1x512xf32> to vector<1x512xf32>
      %add3A = vector.broadcast %broadcast_in_dim3A : vector<400x1xf32> to vector<400x512xf32>
      %add3A_46 = vector.broadcast %get3A_45 : vector<1x512xf32> to vector<400x512xf32>
      %add3A_47 = arith.addf %add3A, %add3A_46 : vector<400x512xf32>
      %mul3A_48 = arith.constant 2.000000e+00 : f32
      %mul3A_49 = vector.broadcast %mul3A_48 : f32 to vector<400x512xf32>
      %mul3A_50 = arith.mulf %mul3A_49, %dot_general3A_40 : vector<400x512xf32>
      %sub3A = arith.subf %add3A_47, %mul3A_50 : vector<400x512xf32>
      %ne3A = vector.broadcast %get3A_4 : vector<400x1xi32> to vector<400x512xi32>
      %ne3A_51 = vector.broadcast %get3A_39 : vector<1x512xi32> to vector<400x512xi32>
      %ne3A_52 = arith.cmpi ne, %ne3A, %ne3A_51 : vector<400x512xi32>
      %jit3A = arith.constant 1.000000e+10 : f32
      %jit3A_53 = arith.constant 0.000000e+00 : f32
      %broadcast_in_dim3A_54 = vector.broadcast %jit3A : f32 to vector<400x512xf32>
      %broadcast_in_dim3A_55 = vector.broadcast %jit3A_53 : f32 to vector<400x512xf32>
      %select_n3A = arith.select %ne3A_52, %broadcast_in_dim3A_54, %broadcast_in_dim3A_55 : vector<400x512xi1>, vector<400x512xf32>
      %add3A_56 = arith.addf %sub3A, %select_n3A : vector<400x512xf32>
      %mul3A_57 = arith.constant 512 : i32
      %mul3A_58 = arith.muli %while3A_27, %mul3A_57 : i32
      %convert_element_type3A_59 = arith.sitofp %mul3A_58 : i32 to f32
      %iota3A = tpu.iota {dimensions = array<i32: 1>} : vector<400x512xi32>
      %convert_element_type3A_60 = arith.sitofp %iota3A : vector<400x512xi32> to vector<400x512xf32>
      %add3A_61 = vector.broadcast %convert_element_type3A_59 : f32 to vector<400x512xf32>
      %add3A_62 = arith.addf %add3A_61, %convert_element_type3A_60 : vector<400x512xf32>
      %concatenate3A = tpu.concatenate %while3A_28, %add3A_56 in 1 : vector<400x8xf32>, vector<400x512xf32> -> vector<400x520xf32>
      %concatenate3A_63 = tpu.concatenate %while3A_29, %add3A_62 in 1 : vector<400x8xf32>, vector<400x512xf32> -> vector<400x520xf32>
      %reduce_min3A = arith.constant dense<0x7F800000> : vector<400xf32>
      %reduce_min3A_64 = vector.multi_reduction <minimumf>, %concatenate3A, %reduce_min3A [1] : vector<400x520xf32> to vector<400xf32>
      %broadcast_in_dim3A_65 = vector.shape_cast %reduce_min3A_64 : vector<400xf32> to vector<400x1xf32>
      %eq3A = vector.broadcast %broadcast_in_dim3A_65 : vector<400x1xf32> to vector<400x520xf32>
      %eq3A_66 = arith.cmpf oeq, %concatenate3A, %eq3A : vector<400x520xf32>
      %jit3A_67 = arith.constant 0x4B800000 : f32
      %broadcast_in_dim3A_68 = vector.broadcast %jit3A_67 : f32 to vector<400x520xf32>
      %select_n3A_69 = arith.select %eq3A_66, %concatenate3A_63, %broadcast_in_dim3A_68 : vector<400x520xi1>, vector<400x520xf32>
      %reduce_min3A_70 = arith.constant dense<0x7F800000> : vector<400xf32>
      %reduce_min3A_71 = vector.multi_reduction <minimumf>, %select_n3A_69, %reduce_min3A_70 [1] : vector<400x520xf32> to vector<400xf32>
      %broadcast_in_dim3A_72 = vector.shape_cast %reduce_min3A_71 : vector<400xf32> to vector<400x1xf32>
      %eq3A_73 = vector.broadcast %broadcast_in_dim3A_72 : vector<400x1xf32> to vector<400x520xf32>
      %eq3A_74 = arith.cmpf oeq, %concatenate3A_63, %eq3A_73 : vector<400x520xf32>
      %jit3A_75 = arith.constant 0x7F800000 : f32
      %broadcast_in_dim3A_76 = vector.broadcast %jit3A_75 : f32 to vector<400x520xf32>
      %select_n3A_77 = arith.select %eq3A_74, %broadcast_in_dim3A_76, %concatenate3A : vector<400x520xi1>, vector<400x520xf32>
      %reduce_min3A_78 = arith.constant dense<0x7F800000> : vector<400xf32>
      %reduce_min3A_79 = vector.multi_reduction <minimumf>, %select_n3A_77, %reduce_min3A_78 [1] : vector<400x520xf32> to vector<400xf32>
      %broadcast_in_dim3A_80 = vector.shape_cast %reduce_min3A_79 : vector<400xf32> to vector<400x1xf32>
      %eq3A_81 = vector.broadcast %broadcast_in_dim3A_80 : vector<400x1xf32> to vector<400x520xf32>
      %eq3A_82 = arith.cmpf oeq, %select_n3A_77, %eq3A_81 : vector<400x520xf32>
      %jit3A_83 = arith.constant 0x4B800000 : f32
      %broadcast_in_dim3A_84 = vector.broadcast %jit3A_83 : f32 to vector<400x520xf32>
      %select_n3A_85 = arith.select %eq3A_82, %concatenate3A_63, %broadcast_in_dim3A_84 : vector<400x520xi1>, vector<400x520xf32>
      %reduce_min3A_86 = arith.constant dense<0x7F800000> : vector<400xf32>
      %reduce_min3A_87 = vector.multi_reduction <minimumf>, %select_n3A_85, %reduce_min3A_86 [1] : vector<400x520xf32> to vector<400xf32>
      %broadcast_in_dim3A_88 = vector.shape_cast %reduce_min3A_87 : vector<400xf32> to vector<400x1xf32>
      %eq3A_89 = vector.broadcast %broadcast_in_dim3A_88 : vector<400x1xf32> to vector<400x520xf32>
      %eq3A_90 = arith.cmpf oeq, %concatenate3A_63, %eq3A_89 : vector<400x520xf32>
      %jit3A_91 = arith.constant 0x7F800000 : f32
      %broadcast_in_dim3A_92 = vector.broadcast %jit3A_91 : f32 to vector<400x520xf32>
      %select_n3A_93 = arith.select %eq3A_90, %broadcast_in_dim3A_92, %select_n3A_77 : vector<400x520xi1>, vector<400x520xf32>
      %reduce_min3A_94 = arith.constant dense<0x7F800000> : vector<400xf32>
      %reduce_min3A_95 = vector.multi_reduction <minimumf>, %select_n3A_93, %reduce_min3A_94 [1] : vector<400x520xf32> to vector<400xf32>
      %broadcast_in_dim3A_96 = vector.shape_cast %reduce_min3A_95 : vector<400xf32> to vector<400x1xf32>
      %eq3A_97 = vector.broadcast %broadcast_in_dim3A_96 : vector<400x1xf32> to vector<400x520xf32>
      %eq3A_98 = arith.cmpf oeq, %select_n3A_93, %eq3A_97 : vector<400x520xf32>
      %jit3A_99 = arith.constant 0x4B800000 : f32
      %broadcast_in_dim3A_100 = vector.broadcast %jit3A_99 : f32 to vector<400x520xf32>
      %select_n3A_101 = arith.select %eq3A_98, %concatenate3A_63, %broadcast_in_dim3A_100 : vector<400x520xi1>, vector<400x520xf32>
      %reduce_min3A_102 = arith.constant dense<0x7F800000> : vector<400xf32>
      %reduce_min3A_103 = vector.multi_reduction <minimumf>, %select_n3A_101, %reduce_min3A_102 [1] : vector<400x520xf32> to vector<400xf32>
      %broadcast_in_dim3A_104 = vector.shape_cast %reduce_min3A_103 : vector<400xf32> to vector<400x1xf32>
      %eq3A_105 = vector.broadcast %broadcast_in_dim3A_104 : vector<400x1xf32> to vector<400x520xf32>
      %eq3A_106 = arith.cmpf oeq, %concatenate3A_63, %eq3A_105 : vector<400x520xf32>
      %jit3A_107 = arith.constant 0x7F800000 : f32
      %broadcast_in_dim3A_108 = vector.broadcast %jit3A_107 : f32 to vector<400x520xf32>
      %select_n3A_109 = arith.select %eq3A_106, %broadcast_in_dim3A_108, %select_n3A_93 : vector<400x520xi1>, vector<400x520xf32>
      %reduce_min3A_110 = arith.constant dense<0x7F800000> : vector<400xf32>
      %reduce_min3A_111 = vector.multi_reduction <minimumf>, %select_n3A_109, %reduce_min3A_110 [1] : vector<400x520xf32> to vector<400xf32>
      %broadcast_in_dim3A_112 = vector.shape_cast %reduce_min3A_111 : vector<400xf32> to vector<400x1xf32>
      %eq3A_113 = vector.broadcast %broadcast_in_dim3A_112 : vector<400x1xf32> to vector<400x520xf32>
      %eq3A_114 = arith.cmpf oeq, %select_n3A_109, %eq3A_113 : vector<400x520xf32>
      %jit3A_115 = arith.constant 0x4B800000 : f32
      %broadcast_in_dim3A_116 = vector.broadcast %jit3A_115 : f32 to vector<400x520xf32>
      %select_n3A_117 = arith.select %eq3A_114, %concatenate3A_63, %broadcast_in_dim3A_116 : vector<400x520xi1>, vector<400x520xf32>
      %reduce_min3A_118 = arith.constant dense<0x7F800000> : vector<400xf32>
      %reduce_min3A_119 = vector.multi_reduction <minimumf>, %select_n3A_117, %reduce_min3A_118 [1] : vector<400x520xf32> to vector<400xf32>
      %broadcast_in_dim3A_120 = vector.shape_cast %reduce_min3A_119 : vector<400xf32> to vector<400x1xf32>
      %eq3A_121 = vector.broadcast %broadcast_in_dim3A_120 : vector<400x1xf32> to vector<400x520xf32>
      %eq3A_122 = arith.cmpf oeq, %concatenate3A_63, %eq3A_121 : vector<400x520xf32>
      %jit3A_123 = arith.constant 0x7F800000 : f32
      %broadcast_in_dim3A_124 = vector.broadcast %jit3A_123 : f32 to vector<400x520xf32>
      %select_n3A_125 = arith.select %eq3A_122, %broadcast_in_dim3A_124, %select_n3A_109 : vector<400x520xi1>, vector<400x520xf32>
      %reduce_min3A_126 = arith.constant dense<0x7F800000> : vector<400xf32>
      %reduce_min3A_127 = vector.multi_reduction <minimumf>, %select_n3A_125, %reduce_min3A_126 [1] : vector<400x520xf32> to vector<400xf32>
      %broadcast_in_dim3A_128 = vector.shape_cast %reduce_min3A_127 : vector<400xf32> to vector<400x1xf32>
      %eq3A_129 = vector.broadcast %broadcast_in_dim3A_128 : vector<400x1xf32> to vector<400x520xf32>
      %eq3A_130 = arith.cmpf oeq, %select_n3A_125, %eq3A_129 : vector<400x520xf32>
      %jit3A_131 = arith.constant 0x4B800000 : f32
      %broadcast_in_dim3A_132 = vector.broadcast %jit3A_131 : f32 to vector<400x520xf32>
      %select_n3A_133 = arith.select %eq3A_130, %concatenate3A_63, %broadcast_in_dim3A_132 : vector<400x520xi1>, vector<400x520xf32>
      %reduce_min3A_134 = arith.constant dense<0x7F800000> : vector<400xf32>
      %reduce_min3A_135 = vector.multi_reduction <minimumf>, %select_n3A_133, %reduce_min3A_134 [1] : vector<400x520xf32> to vector<400xf32>
      %broadcast_in_dim3A_136 = vector.shape_cast %reduce_min3A_135 : vector<400xf32> to vector<400x1xf32>
      %eq3A_137 = vector.broadcast %broadcast_in_dim3A_136 : vector<400x1xf32> to vector<400x520xf32>
      %eq3A_138 = arith.cmpf oeq, %concatenate3A_63, %eq3A_137 : vector<400x520xf32>
      %jit3A_139 = arith.constant 0x7F800000 : f32
      %broadcast_in_dim3A_140 = vector.broadcast %jit3A_139 : f32 to vector<400x520xf32>
      %select_n3A_141 = arith.select %eq3A_138, %broadcast_in_dim3A_140, %select_n3A_125 : vector<400x520xi1>, vector<400x520xf32>
      %reduce_min3A_142 = arith.constant dense<0x7F800000> : vector<400xf32>
      %reduce_min3A_143 = vector.multi_reduction <minimumf>, %select_n3A_141, %reduce_min3A_142 [1] : vector<400x520xf32> to vector<400xf32>
      %broadcast_in_dim3A_144 = vector.shape_cast %reduce_min3A_143 : vector<400xf32> to vector<400x1xf32>
      %eq3A_145 = vector.broadcast %broadcast_in_dim3A_144 : vector<400x1xf32> to vector<400x520xf32>
      %eq3A_146 = arith.cmpf oeq, %select_n3A_141, %eq3A_145 : vector<400x520xf32>
      %jit3A_147 = arith.constant 0x4B800000 : f32
      %broadcast_in_dim3A_148 = vector.broadcast %jit3A_147 : f32 to vector<400x520xf32>
      %select_n3A_149 = arith.select %eq3A_146, %concatenate3A_63, %broadcast_in_dim3A_148 : vector<400x520xi1>, vector<400x520xf32>
      %reduce_min3A_150 = arith.constant dense<0x7F800000> : vector<400xf32>
      %reduce_min3A_151 = vector.multi_reduction <minimumf>, %select_n3A_149, %reduce_min3A_150 [1] : vector<400x520xf32> to vector<400xf32>
      %broadcast_in_dim3A_152 = vector.shape_cast %reduce_min3A_151 : vector<400xf32> to vector<400x1xf32>
      %eq3A_153 = vector.broadcast %broadcast_in_dim3A_152 : vector<400x1xf32> to vector<400x520xf32>
      %eq3A_154 = arith.cmpf oeq, %concatenate3A_63, %eq3A_153 : vector<400x520xf32>
      %jit3A_155 = arith.constant 0x7F800000 : f32
      %broadcast_in_dim3A_156 = vector.broadcast %jit3A_155 : f32 to vector<400x520xf32>
      %select_n3A_157 = arith.select %eq3A_154, %broadcast_in_dim3A_156, %select_n3A_141 : vector<400x520xi1>, vector<400x520xf32>
      %reduce_min3A_158 = arith.constant dense<0x7F800000> : vector<400xf32>
      %reduce_min3A_159 = vector.multi_reduction <minimumf>, %select_n3A_157, %reduce_min3A_158 [1] : vector<400x520xf32> to vector<400xf32>
      %broadcast_in_dim3A_160 = vector.shape_cast %reduce_min3A_159 : vector<400xf32> to vector<400x1xf32>
      %eq3A_161 = vector.broadcast %broadcast_in_dim3A_160 : vector<400x1xf32> to vector<400x520xf32>
      %eq3A_162 = arith.cmpf oeq, %select_n3A_157, %eq3A_161 : vector<400x520xf32>
      %jit3A_163 = arith.constant 0x4B800000 : f32
      %broadcast_in_dim3A_164 = vector.broadcast %jit3A_163 : f32 to vector<400x520xf32>
      %select_n3A_165 = arith.select %eq3A_162, %concatenate3A_63, %broadcast_in_dim3A_164 : vector<400x520xi1>, vector<400x520xf32>
      %reduce_min3A_166 = arith.constant dense<0x7F800000> : vector<400xf32>
      %reduce_min3A_167 = vector.multi_reduction <minimumf>, %select_n3A_165, %reduce_min3A_166 [1] : vector<400x520xf32> to vector<400xf32>
      %broadcast_in_dim3A_168 = vector.shape_cast %reduce_min3A_167 : vector<400xf32> to vector<400x1xf32>
      %eq3A_169 = vector.broadcast %broadcast_in_dim3A_168 : vector<400x1xf32> to vector<400x520xf32>
      %eq3A_170 = arith.cmpf oeq, %concatenate3A_63, %eq3A_169 : vector<400x520xf32>
      %jit3A_171 = arith.constant 0x7F800000 : f32
      %broadcast_in_dim3A_172 = vector.broadcast %jit3A_171 : f32 to vector<400x520xf32>
      %select_n3A_173 = arith.select %eq3A_170, %broadcast_in_dim3A_172, %select_n3A_157 : vector<400x520xi1>, vector<400x520xf32>
      %reduce_min3A_174 = arith.constant dense<0x7F800000> : vector<400xf32>
      %reduce_min3A_175 = vector.multi_reduction <minimumf>, %select_n3A_173, %reduce_min3A_174 [1] : vector<400x520xf32> to vector<400xf32>
      %broadcast_in_dim3A_176 = vector.shape_cast %reduce_min3A_175 : vector<400xf32> to vector<400x1xf32>
      %eq3A_177 = vector.broadcast %broadcast_in_dim3A_176 : vector<400x1xf32> to vector<400x520xf32>
      %eq3A_178 = arith.cmpf oeq, %select_n3A_173, %eq3A_177 : vector<400x520xf32>
      %jit3A_179 = arith.constant 0x4B800000 : f32
      %broadcast_in_dim3A_180 = vector.broadcast %jit3A_179 : f32 to vector<400x520xf32>
      %select_n3A_181 = arith.select %eq3A_178, %concatenate3A_63, %broadcast_in_dim3A_180 : vector<400x520xi1>, vector<400x520xf32>
      %reduce_min3A_182 = arith.constant dense<0x7F800000> : vector<400xf32>
      %reduce_min3A_183 = vector.multi_reduction <minimumf>, %select_n3A_181, %reduce_min3A_182 [1] : vector<400x520xf32> to vector<400xf32>
      %broadcast_in_dim3A_184 = vector.shape_cast %reduce_min3A_183 : vector<400xf32> to vector<400x1xf32>
      %eq3A_185 = vector.broadcast %broadcast_in_dim3A_184 : vector<400x1xf32> to vector<400x520xf32>
      %eq3A_186 = arith.cmpf oeq, %concatenate3A_63, %eq3A_185 : vector<400x520xf32>
      %jit3A_187 = arith.constant 0x7F800000 : f32
      %broadcast_in_dim3A_188 = vector.broadcast %jit3A_187 : f32 to vector<400x520xf32>
      %select_n3A_189 = arith.select %eq3A_186, %broadcast_in_dim3A_188, %select_n3A_173 : vector<400x520xi1>, vector<400x520xf32>
      %concatenate3A_190 = tpu.concatenate %broadcast_in_dim3A_65, %broadcast_in_dim3A_80, %broadcast_in_dim3A_96, %broadcast_in_dim3A_112, %broadcast_in_dim3A_128, %broadcast_in_dim3A_144, %broadcast_in_dim3A_160, %broadcast_in_dim3A_176 in 1 : vector<400x1xf32>, vector<400x1xf32>, vector<400x1xf32>, vector<400x1xf32>, vector<400x1xf32>, vector<400x1xf32>, vector<400x1xf32>, vector<400x1xf32> -> vector<400x8xf32>
      %concatenate3A_191 = tpu.concatenate %broadcast_in_dim3A_72, %broadcast_in_dim3A_88, %broadcast_in_dim3A_104, %broadcast_in_dim3A_120, %broadcast_in_dim3A_136, %broadcast_in_dim3A_152, %broadcast_in_dim3A_168, %broadcast_in_dim3A_184 in 1 : vector<400x1xf32>, vector<400x1xf32>, vector<400x1xf32>, vector<400x1xf32>, vector<400x1xf32>, vector<400x1xf32>, vector<400x1xf32>, vector<400x1xf32> -> vector<400x8xf32>
      scf.yield %concatenate3A_190, %concatenate3A_191 : vector<400x8xf32>, vector<400x8xf32>
    }
    %while3A_23 = arith.constant 1 : i32
    %while3A_24:2 = scf.for %while3A_27 = %while3A_20 to %while3A_16 step %while3A_23 iter_args(%while3A_28 = %while3A_22#0, %while3A_29 = %while3A_22#1) -> (vector<400x8xf32>, vector<400x8xf32>)  : i32 {
      %get3A_30 = arith.index_cast %while3A_27 : i32 to index
      %get3A_31 = arith.constant 0 : index
      %get3A_32 = arith.constant 0 : index
      %get3A_33 = vector.load %arg4[%get3A_30, %get3A_31, %get3A_32] : memref<20x512x128xf32, #tpu.memory_space<vmem>>, vector<1x512x128xf32>
      %get3A_34 = vector.shape_cast %get3A_33 : vector<1x512x128xf32> to vector<512x128xf32>
      %get3A_35 = arith.index_cast %while3A_27 : i32 to index
      %get3A_36 = arith.constant 0 : index
      %get3A_37 = arith.constant 0 : index
      %get3A_38 = vector.load %arg5[%get3A_35, %get3A_36, %get3A_37] : memref<20x1x512xi32, #tpu.memory_space<vmem>>, vector<1x1x512xi32>
      %get3A_39 = vector.shape_cast %get3A_38 : vector<1x1x512xi32> to vector<1x512xi32>
      %dot_general3A = arith.constant dense<0.000000e+00> : vector<400x512xf32>
      %dot_general3A_40 = tpu.matmul %get3A_1, %get3A_34, %dot_general3A {dimension_numbers = #tpu.dot_dimension_numbers<[1], [1], [0], [0], [0, 0, 1, 0], [], []>, transpose_lhs_hint = false} : vector<400x128xf32>, vector<512x128xf32>, vector<400x512xf32> -> vector<400x512xf32>
      %get3A_41 = arith.index_cast %while3A_27 : i32 to index
      %get3A_42 = arith.constant 0 : index
      %get3A_43 = arith.constant 0 : index
      %get3A_44 = vector.load %arg6[%get3A_41, %get3A_42, %get3A_43] : memref<20x1x512xf32, #tpu.memory_space<vmem>>, vector<1x1x512xf32>
      %get3A_45 = vector.shape_cast %get3A_44 : vector<1x1x512xf32> to vector<1x512xf32>
      %add3A = vector.broadcast %broadcast_in_dim3A : vector<400x1xf32> to vector<400x512xf32>
      %add3A_46 = vector.broadcast %get3A_45 : vector<1x512xf32> to vector<400x512xf32>
      %add3A_47 = arith.addf %add3A, %add3A_46 : vector<400x512xf32>
      %mul3A_48 = arith.constant 2.000000e+00 : f32
      %mul3A_49 = vector.broadcast %mul3A_48 : f32 to vector<400x512xf32>
      %mul3A_50 = arith.mulf %mul3A_49, %dot_general3A_40 : vector<400x512xf32>
      %sub3A = arith.subf %add3A_47, %mul3A_50 : vector<400x512xf32>
      %ne3A = vector.broadcast %get3A_4 : vector<400x1xi32> to vector<400x512xi32>
      %ne3A_51 = vector.broadcast %get3A_39 : vector<1x512xi32> to vector<400x512xi32>
      %ne3A_52 = arith.cmpi ne, %ne3A, %ne3A_51 : vector<400x512xi32>
      %jit3A = arith.constant 1.000000e+10 : f32
      %jit3A_53 = arith.constant 0.000000e+00 : f32
      %broadcast_in_dim3A_54 = vector.broadcast %jit3A : f32 to vector<400x512xf32>
      %broadcast_in_dim3A_55 = vector.broadcast %jit3A_53 : f32 to vector<400x512xf32>
      %select_n3A = arith.select %ne3A_52, %broadcast_in_dim3A_54, %broadcast_in_dim3A_55 : vector<400x512xi1>, vector<400x512xf32>
      %add3A_56 = arith.addf %sub3A, %select_n3A : vector<400x512xf32>
      %mul3A_57 = arith.constant 512 : i32
      %mul3A_58 = arith.muli %while3A_27, %mul3A_57 : i32
      %convert_element_type3A_59 = arith.sitofp %mul3A_58 : i32 to f32
      %iota3A = tpu.iota {dimensions = array<i32: 1>} : vector<400x512xi32>
      %convert_element_type3A_60 = arith.sitofp %iota3A : vector<400x512xi32> to vector<400x512xf32>
      %add3A_61 = vector.broadcast %convert_element_type3A_59 : f32 to vector<400x512xf32>
      %add3A_62 = arith.addf %add3A_61, %convert_element_type3A_60 : vector<400x512xf32>
      %concatenate3A = tpu.concatenate %while3A_28, %add3A_56 in 1 : vector<400x8xf32>, vector<400x512xf32> -> vector<400x520xf32>
      %concatenate3A_63 = tpu.concatenate %while3A_29, %add3A_62 in 1 : vector<400x8xf32>, vector<400x512xf32> -> vector<400x520xf32>
      %reduce_min3A = arith.constant dense<0x7F800000> : vector<400xf32>
      %reduce_min3A_64 = vector.multi_reduction <minimumf>, %concatenate3A, %reduce_min3A [1] : vector<400x520xf32> to vector<400xf32>
      %broadcast_in_dim3A_65 = vector.shape_cast %reduce_min3A_64 : vector<400xf32> to vector<400x1xf32>
      %eq3A = vector.broadcast %broadcast_in_dim3A_65 : vector<400x1xf32> to vector<400x520xf32>
      %eq3A_66 = arith.cmpf oeq, %concatenate3A, %eq3A : vector<400x520xf32>
      %jit3A_67 = arith.constant 0x4B800000 : f32
      %broadcast_in_dim3A_68 = vector.broadcast %jit3A_67 : f32 to vector<400x520xf32>
      %select_n3A_69 = arith.select %eq3A_66, %concatenate3A_63, %broadcast_in_dim3A_68 : vector<400x520xi1>, vector<400x520xf32>
      %reduce_min3A_70 = arith.constant dense<0x7F800000> : vector<400xf32>
      %reduce_min3A_71 = vector.multi_reduction <minimumf>, %select_n3A_69, %reduce_min3A_70 [1] : vector<400x520xf32> to vector<400xf32>
      %broadcast_in_dim3A_72 = vector.shape_cast %reduce_min3A_71 : vector<400xf32> to vector<400x1xf32>
      %eq3A_73 = vector.broadcast %broadcast_in_dim3A_72 : vector<400x1xf32> to vector<400x520xf32>
      %eq3A_74 = arith.cmpf oeq, %concatenate3A_63, %eq3A_73 : vector<400x520xf32>
      %jit3A_75 = arith.constant 0x7F800000 : f32
      %broadcast_in_dim3A_76 = vector.broadcast %jit3A_75 : f32 to vector<400x520xf32>
      %select_n3A_77 = arith.select %eq3A_74, %broadcast_in_dim3A_76, %concatenate3A : vector<400x520xi1>, vector<400x520xf32>
      %reduce_min3A_78 = arith.constant dense<0x7F800000> : vector<400xf32>
      %reduce_min3A_79 = vector.multi_reduction <minimumf>, %select_n3A_77, %reduce_min3A_78 [1] : vector<400x520xf32> to vector<400xf32>
      %broadcast_in_dim3A_80 = vector.shape_cast %reduce_min3A_79 : vector<400xf32> to vector<400x1xf32>
      %eq3A_81 = vector.broadcast %broadcast_in_dim3A_80 : vector<400x1xf32> to vector<400x520xf32>
      %eq3A_82 = arith.cmpf oeq, %select_n3A_77, %eq3A_81 : vector<400x520xf32>
      %jit3A_83 = arith.constant 0x4B800000 : f32
      %broadcast_in_dim3A_84 = vector.broadcast %jit3A_83 : f32 to vector<400x520xf32>
      %select_n3A_85 = arith.select %eq3A_82, %concatenate3A_63, %broadcast_in_dim3A_84 : vector<400x520xi1>, vector<400x520xf32>
      %reduce_min3A_86 = arith.constant dense<0x7F800000> : vector<400xf32>
      %reduce_min3A_87 = vector.multi_reduction <minimumf>, %select_n3A_85, %reduce_min3A_86 [1] : vector<400x520xf32> to vector<400xf32>
      %broadcast_in_dim3A_88 = vector.shape_cast %reduce_min3A_87 : vector<400xf32> to vector<400x1xf32>
      %eq3A_89 = vector.broadcast %broadcast_in_dim3A_88 : vector<400x1xf32> to vector<400x520xf32>
      %eq3A_90 = arith.cmpf oeq, %concatenate3A_63, %eq3A_89 : vector<400x520xf32>
      %jit3A_91 = arith.constant 0x7F800000 : f32
      %broadcast_in_dim3A_92 = vector.broadcast %jit3A_91 : f32 to vector<400x520xf32>
      %select_n3A_93 = arith.select %eq3A_90, %broadcast_in_dim3A_92, %select_n3A_77 : vector<400x520xi1>, vector<400x520xf32>
      %reduce_min3A_94 = arith.constant dense<0x7F800000> : vector<400xf32>
      %reduce_min3A_95 = vector.multi_reduction <minimumf>, %select_n3A_93, %reduce_min3A_94 [1] : vector<400x520xf32> to vector<400xf32>
      %broadcast_in_dim3A_96 = vector.shape_cast %reduce_min3A_95 : vector<400xf32> to vector<400x1xf32>
      %eq3A_97 = vector.broadcast %broadcast_in_dim3A_96 : vector<400x1xf32> to vector<400x520xf32>
      %eq3A_98 = arith.cmpf oeq, %select_n3A_93, %eq3A_97 : vector<400x520xf32>
      %jit3A_99 = arith.constant 0x4B800000 : f32
      %broadcast_in_dim3A_100 = vector.broadcast %jit3A_99 : f32 to vector<400x520xf32>
      %select_n3A_101 = arith.select %eq3A_98, %concatenate3A_63, %broadcast_in_dim3A_100 : vector<400x520xi1>, vector<400x520xf32>
      %reduce_min3A_102 = arith.constant dense<0x7F800000> : vector<400xf32>
      %reduce_min3A_103 = vector.multi_reduction <minimumf>, %select_n3A_101, %reduce_min3A_102 [1] : vector<400x520xf32> to vector<400xf32>
      %broadcast_in_dim3A_104 = vector.shape_cast %reduce_min3A_103 : vector<400xf32> to vector<400x1xf32>
      %eq3A_105 = vector.broadcast %broadcast_in_dim3A_104 : vector<400x1xf32> to vector<400x520xf32>
      %eq3A_106 = arith.cmpf oeq, %concatenate3A_63, %eq3A_105 : vector<400x520xf32>
      %jit3A_107 = arith.constant 0x7F800000 : f32
      %broadcast_in_dim3A_108 = vector.broadcast %jit3A_107 : f32 to vector<400x520xf32>
      %select_n3A_109 = arith.select %eq3A_106, %broadcast_in_dim3A_108, %select_n3A_93 : vector<400x520xi1>, vector<400x520xf32>
      %reduce_min3A_110 = arith.constant dense<0x7F800000> : vector<400xf32>
      %reduce_min3A_111 = vector.multi_reduction <minimumf>, %select_n3A_109, %reduce_min3A_110 [1] : vector<400x520xf32> to vector<400xf32>
      %broadcast_in_dim3A_112 = vector.shape_cast %reduce_min3A_111 : vector<400xf32> to vector<400x1xf32>
      %eq3A_113 = vector.broadcast %broadcast_in_dim3A_112 : vector<400x1xf32> to vector<400x520xf32>
      %eq3A_114 = arith.cmpf oeq, %select_n3A_109, %eq3A_113 : vector<400x520xf32>
      %jit3A_115 = arith.constant 0x4B800000 : f32
      %broadcast_in_dim3A_116 = vector.broadcast %jit3A_115 : f32 to vector<400x520xf32>
      %select_n3A_117 = arith.select %eq3A_114, %concatenate3A_63, %broadcast_in_dim3A_116 : vector<400x520xi1>, vector<400x520xf32>
      %reduce_min3A_118 = arith.constant dense<0x7F800000> : vector<400xf32>
      %reduce_min3A_119 = vector.multi_reduction <minimumf>, %select_n3A_117, %reduce_min3A_118 [1] : vector<400x520xf32> to vector<400xf32>
      %broadcast_in_dim3A_120 = vector.shape_cast %reduce_min3A_119 : vector<400xf32> to vector<400x1xf32>
      %eq3A_121 = vector.broadcast %broadcast_in_dim3A_120 : vector<400x1xf32> to vector<400x520xf32>
      %eq3A_122 = arith.cmpf oeq, %concatenate3A_63, %eq3A_121 : vector<400x520xf32>
      %jit3A_123 = arith.constant 0x7F800000 : f32
      %broadcast_in_dim3A_124 = vector.broadcast %jit3A_123 : f32 to vector<400x520xf32>
      %select_n3A_125 = arith.select %eq3A_122, %broadcast_in_dim3A_124, %select_n3A_109 : vector<400x520xi1>, vector<400x520xf32>
      %reduce_min3A_126 = arith.constant dense<0x7F800000> : vector<400xf32>
      %reduce_min3A_127 = vector.multi_reduction <minimumf>, %select_n3A_125, %reduce_min3A_126 [1] : vector<400x520xf32> to vector<400xf32>
      %broadcast_in_dim3A_128 = vector.shape_cast %reduce_min3A_127 : vector<400xf32> to vector<400x1xf32>
      %eq3A_129 = vector.broadcast %broadcast_in_dim3A_128 : vector<400x1xf32> to vector<400x520xf32>
      %eq3A_130 = arith.cmpf oeq, %select_n3A_125, %eq3A_129 : vector<400x520xf32>
      %jit3A_131 = arith.constant 0x4B800000 : f32
      %broadcast_in_dim3A_132 = vector.broadcast %jit3A_131 : f32 to vector<400x520xf32>
      %select_n3A_133 = arith.select %eq3A_130, %concatenate3A_63, %broadcast_in_dim3A_132 : vector<400x520xi1>, vector<400x520xf32>
      %reduce_min3A_134 = arith.constant dense<0x7F800000> : vector<400xf32>
      %reduce_min3A_135 = vector.multi_reduction <minimumf>, %select_n3A_133, %reduce_min3A_134 [1] : vector<400x520xf32> to vector<400xf32>
      %broadcast_in_dim3A_136 = vector.shape_cast %reduce_min3A_135 : vector<400xf32> to vector<400x1xf32>
      %eq3A_137 = vector.broadcast %broadcast_in_dim3A_136 : vector<400x1xf32> to vector<400x520xf32>
      %eq3A_138 = arith.cmpf oeq, %concatenate3A_63, %eq3A_137 : vector<400x520xf32>
      %jit3A_139 = arith.constant 0x7F800000 : f32
      %broadcast_in_dim3A_140 = vector.broadcast %jit3A_139 : f32 to vector<400x520xf32>
      %select_n3A_141 = arith.select %eq3A_138, %broadcast_in_dim3A_140, %select_n3A_125 : vector<400x520xi1>, vector<400x520xf32>
      %reduce_min3A_142 = arith.constant dense<0x7F800000> : vector<400xf32>
      %reduce_min3A_143 = vector.multi_reduction <minimumf>, %select_n3A_141, %reduce_min3A_142 [1] : vector<400x520xf32> to vector<400xf32>
      %broadcast_in_dim3A_144 = vector.shape_cast %reduce_min3A_143 : vector<400xf32> to vector<400x1xf32>
      %eq3A_145 = vector.broadcast %broadcast_in_dim3A_144 : vector<400x1xf32> to vector<400x520xf32>
      %eq3A_146 = arith.cmpf oeq, %select_n3A_141, %eq3A_145 : vector<400x520xf32>
      %jit3A_147 = arith.constant 0x4B800000 : f32
      %broadcast_in_dim3A_148 = vector.broadcast %jit3A_147 : f32 to vector<400x520xf32>
      %select_n3A_149 = arith.select %eq3A_146, %concatenate3A_63, %broadcast_in_dim3A_148 : vector<400x520xi1>, vector<400x520xf32>
      %reduce_min3A_150 = arith.constant dense<0x7F800000> : vector<400xf32>
      %reduce_min3A_151 = vector.multi_reduction <minimumf>, %select_n3A_149, %reduce_min3A_150 [1] : vector<400x520xf32> to vector<400xf32>
      %broadcast_in_dim3A_152 = vector.shape_cast %reduce_min3A_151 : vector<400xf32> to vector<400x1xf32>
      %eq3A_153 = vector.broadcast %broadcast_in_dim3A_152 : vector<400x1xf32> to vector<400x520xf32>
      %eq3A_154 = arith.cmpf oeq, %concatenate3A_63, %eq3A_153 : vector<400x520xf32>
      %jit3A_155 = arith.constant 0x7F800000 : f32
      %broadcast_in_dim3A_156 = vector.broadcast %jit3A_155 : f32 to vector<400x520xf32>
      %select_n3A_157 = arith.select %eq3A_154, %broadcast_in_dim3A_156, %select_n3A_141 : vector<400x520xi1>, vector<400x520xf32>
      %reduce_min3A_158 = arith.constant dense<0x7F800000> : vector<400xf32>
      %reduce_min3A_159 = vector.multi_reduction <minimumf>, %select_n3A_157, %reduce_min3A_158 [1] : vector<400x520xf32> to vector<400xf32>
      %broadcast_in_dim3A_160 = vector.shape_cast %reduce_min3A_159 : vector<400xf32> to vector<400x1xf32>
      %eq3A_161 = vector.broadcast %broadcast_in_dim3A_160 : vector<400x1xf32> to vector<400x520xf32>
      %eq3A_162 = arith.cmpf oeq, %select_n3A_157, %eq3A_161 : vector<400x520xf32>
      %jit3A_163 = arith.constant 0x4B800000 : f32
      %broadcast_in_dim3A_164 = vector.broadcast %jit3A_163 : f32 to vector<400x520xf32>
      %select_n3A_165 = arith.select %eq3A_162, %concatenate3A_63, %broadcast_in_dim3A_164 : vector<400x520xi1>, vector<400x520xf32>
      %reduce_min3A_166 = arith.constant dense<0x7F800000> : vector<400xf32>
      %reduce_min3A_167 = vector.multi_reduction <minimumf>, %select_n3A_165, %reduce_min3A_166 [1] : vector<400x520xf32> to vector<400xf32>
      %broadcast_in_dim3A_168 = vector.shape_cast %reduce_min3A_167 : vector<400xf32> to vector<400x1xf32>
      %eq3A_169 = vector.broadcast %broadcast_in_dim3A_168 : vector<400x1xf32> to vector<400x520xf32>
      %eq3A_170 = arith.cmpf oeq, %concatenate3A_63, %eq3A_169 : vector<400x520xf32>
      %jit3A_171 = arith.constant 0x7F800000 : f32
      %broadcast_in_dim3A_172 = vector.broadcast %jit3A_171 : f32 to vector<400x520xf32>
      %select_n3A_173 = arith.select %eq3A_170, %broadcast_in_dim3A_172, %select_n3A_157 : vector<400x520xi1>, vector<400x520xf32>
      %reduce_min3A_174 = arith.constant dense<0x7F800000> : vector<400xf32>
      %reduce_min3A_175 = vector.multi_reduction <minimumf>, %select_n3A_173, %reduce_min3A_174 [1] : vector<400x520xf32> to vector<400xf32>
      %broadcast_in_dim3A_176 = vector.shape_cast %reduce_min3A_175 : vector<400xf32> to vector<400x1xf32>
      %eq3A_177 = vector.broadcast %broadcast_in_dim3A_176 : vector<400x1xf32> to vector<400x520xf32>
      %eq3A_178 = arith.cmpf oeq, %select_n3A_173, %eq3A_177 : vector<400x520xf32>
      %jit3A_179 = arith.constant 0x4B800000 : f32
      %broadcast_in_dim3A_180 = vector.broadcast %jit3A_179 : f32 to vector<400x520xf32>
      %select_n3A_181 = arith.select %eq3A_178, %concatenate3A_63, %broadcast_in_dim3A_180 : vector<400x520xi1>, vector<400x520xf32>
      %reduce_min3A_182 = arith.constant dense<0x7F800000> : vector<400xf32>
      %reduce_min3A_183 = vector.multi_reduction <minimumf>, %select_n3A_181, %reduce_min3A_182 [1] : vector<400x520xf32> to vector<400xf32>
      %broadcast_in_dim3A_184 = vector.shape_cast %reduce_min3A_183 : vector<400xf32> to vector<400x1xf32>
      %eq3A_185 = vector.broadcast %broadcast_in_dim3A_184 : vector<400x1xf32> to vector<400x520xf32>
      %eq3A_186 = arith.cmpf oeq, %concatenate3A_63, %eq3A_185 : vector<400x520xf32>
      %jit3A_187 = arith.constant 0x7F800000 : f32
      %broadcast_in_dim3A_188 = vector.broadcast %jit3A_187 : f32 to vector<400x520xf32>
      %select_n3A_189 = arith.select %eq3A_186, %broadcast_in_dim3A_188, %select_n3A_173 : vector<400x520xi1>, vector<400x520xf32>
      %concatenate3A_190 = tpu.concatenate %broadcast_in_dim3A_65, %broadcast_in_dim3A_80, %broadcast_in_dim3A_96, %broadcast_in_dim3A_112, %broadcast_in_dim3A_128, %broadcast_in_dim3A_144, %broadcast_in_dim3A_160, %broadcast_in_dim3A_176 in 1 : vector<400x1xf32>, vector<400x1xf32>, vector<400x1xf32>, vector<400x1xf32>, vector<400x1xf32>, vector<400x1xf32>, vector<400x1xf32>, vector<400x1xf32> -> vector<400x8xf32>
      %concatenate3A_191 = tpu.concatenate %broadcast_in_dim3A_72, %broadcast_in_dim3A_88, %broadcast_in_dim3A_104, %broadcast_in_dim3A_120, %broadcast_in_dim3A_136, %broadcast_in_dim3A_152, %broadcast_in_dim3A_168, %broadcast_in_dim3A_184 in 1 : vector<400x1xf32>, vector<400x1xf32>, vector<400x1xf32>, vector<400x1xf32>, vector<400x1xf32>, vector<400x1xf32>, vector<400x1xf32>, vector<400x1xf32> -> vector<400x8xf32>
      scf.yield %concatenate3A_190, %concatenate3A_191 : vector<400x8xf32>, vector<400x8xf32>
    }
    %convert_element_type3A = arith.fptosi %while3A_24#1 : vector<400x8xf32> to vector<400x8xi32>
    %swap3A = arith.constant 0 : index
    %swap3A_25 = arith.constant 0 : index
    %swap3A_26 = vector.load %arg7[%swap3A, %swap3A_25] : memref<400x8xi32, #tpu.memory_space<vmem>>, vector<400x8xi32>
    tpu.vector_store %arg7[%swap3A, %swap3A_25], %convert_element_type3A {strides = array<i32>} : memref<400x8xi32, #tpu.memory_space<vmem>>, vector<400x8xi32>,
    return
  }
  func.func @transform_0(%arg0: i32, %arg1: memref<2x25xi32, #tpu.memory_space<smem>>) -> (i32, i32) {
    %c0_i32 = arith.constant 0 : i32
    %c0_i32_0 = arith.constant 0 : i32
    return %arg0, %c0_i32 : i32, i32
  }
  func.func @transform_1(%arg0: i32, %arg1: memref<2x25xi32, #tpu.memory_space<smem>>) -> (i32, i32) {
    %c0_i32 = arith.constant 0 : i32
    %c0_i32_0 = arith.constant 0 : i32
    return %arg0, %c0_i32 : i32, i32
  }
  func.func @transform_2(%arg0: i32, %arg1: memref<2x25xi32, #tpu.memory_space<smem>>) -> (i32, i32, i32) {
    %c0_i32 = arith.constant 0 : i32
    %c0_i32_0 = arith.constant 0 : i32
    %c0_i32_1 = arith.constant 0 : i32
    %c0_i32_2 = arith.constant 0 : i32
    return %c0_i32, %c0_i32_0, %c0_i32_1 : i32, i32, i32
  }
  func.func @transform_3(%arg0: i32, %arg1: memref<2x25xi32, #tpu.memory_space<smem>>) -> (i32, i32, i32) {
    %c0_i32 = arith.constant 0 : i32
    %c0_i32_0 = arith.constant 0 : i32
    %c0_i32_1 = arith.constant 0 : i32
    %c0_i32_2 = arith.constant 0 : i32
    return %c0_i32, %c0_i32_0, %c0_i32_1 : i32, i32, i32
  }
  func.func @transform_4(%arg0: i32, %arg1: memref<2x25xi32, #tpu.memory_space<smem>>) -> (i32, i32, i32) {
    %c0_i32 = arith.constant 0 : i32
    %c0_i32_0 = arith.constant 0 : i32
    %c0_i32_1 = arith.constant 0 : i32
    %c0_i32_2 = arith.constant 0 : i32
    return %c0_i32, %c0_i32_0, %c0_i32_1 : i32, i32, i32
  }
  func.func @transform_5(%arg0: i32, %arg1: memref<2x25xi32, #tpu.memory_space<smem>>) -> (i32, i32) {
    %c0_i32 = arith.constant 0 : i32
    %c0_i32_0 = arith.constant 0 : i32
    return %arg0, %c0_i32 : i32, i32
  }
}

module attributes {stable_mosaic.version = 14 : i64} {
  func.func @_stats_body(%arg0: i32, %arg1: memref<400x128xf32, #tpu.memory_space<vmem>>, %arg2: memref<8x400x128xf32, #tpu.memory_space<vmem>>, %arg3: memref<8x128xf32, #tpu.memory_space<vmem>>, %arg4: memref<8x128xf32, #tpu.memory_space<vmem>>) attributes {dimension_semantics = [#tpu.dimension_semantics<arbitrary>], iteration_bounds = array<i64: 25>, scalar_prefetch = 0 : i64, scratch_operands = 0 : i64, tpu.core_type = #tpu.core_type<tc>, window_params = [{transform_indices = @transform_0, window_bounds = array<i64: 400, 128>}, {transform_indices = @transform_1, window_bounds = array<i64: 8, 400, 128>}, {pipeline_mode = #tpu.pipeline_mode<synchronous>, transform_indices = @transform_2, window_bounds = array<i64: 8, 128>}, {pipeline_mode = #tpu.pipeline_mode<synchronous>, transform_indices = @transform_3, window_bounds = array<i64: 8, 128>}]} {
    %eq3A = arith.constant 0 : i32
    %eq3A_0 = arith.cmpi eq, %arg0, %eq3A : i32
    %convert_element_type3A = arith.extui %eq3A_0 : i1 to i32
    %cond3A = arith.constant 0 : i32
    %cond3A_1 = arith.cmpi ne, %convert_element_type3A, %cond3A : i32
    scf.if %cond3A_1 {
      %broadcast_in_dim3A_137 = arith.constant 0.000000e+00 : f32
      %broadcast_in_dim3A_138 = vector.broadcast %broadcast_in_dim3A_137 : f32 to vector<8x128xf32>
      %swap3A_139 = arith.constant 0 : index
      %swap3A_140 = arith.constant 0 : index
      %swap3A_141 = vector.load %arg3[%swap3A_139, %swap3A_140] : memref<8x128xf32, #tpu.memory_space<vmem>>, vector<8x128xf32>
      tpu.vector_store %arg3[%swap3A_139, %swap3A_140], %broadcast_in_dim3A_138 {strides = array<i32>} : memref<8x128xf32, #tpu.memory_space<vmem>>, vector<8x128xf32>,
      %broadcast_in_dim3A_142 = arith.constant 0.000000e+00 : f32
      %broadcast_in_dim3A_143 = vector.broadcast %broadcast_in_dim3A_142 : f32 to vector<8x128xf32>
      %swap3A_144 = arith.constant 0 : index
      %swap3A_145 = arith.constant 0 : index
      %swap3A_146 = vector.load %arg4[%swap3A_144, %swap3A_145] : memref<8x128xf32, #tpu.memory_space<vmem>>, vector<8x128xf32>
      tpu.vector_store %arg4[%swap3A_144, %swap3A_145], %broadcast_in_dim3A_143 {strides = array<i32>} : memref<8x128xf32, #tpu.memory_space<vmem>>, vector<8x128xf32>,
    } else {
    }
    %get3A = arith.constant 0 : index
    %get3A_2 = arith.constant 0 : index
    %get3A_3 = vector.load %arg1[%get3A, %get3A_2] : memref<400x128xf32, #tpu.memory_space<vmem>>, vector<400x128xf32>
    %broadcast_in_dim3A = arith.constant 0.000000e+00 : f32
    %broadcast_in_dim3A_4 = vector.broadcast %broadcast_in_dim3A : f32 to vector<1x128xf32>
    %broadcast_in_dim3A_5 = arith.constant 0.000000e+00 : f32
    %broadcast_in_dim3A_6 = vector.broadcast %broadcast_in_dim3A_5 : f32 to vector<1x128xf32>
    %get3A_7 = arith.constant 0 : index
    %get3A_8 = arith.constant 0 : index
    %get3A_9 = arith.constant 0 : index
    %get3A_10 = vector.load %arg2[%get3A_7, %get3A_8, %get3A_9] : memref<8x400x128xf32, #tpu.memory_space<vmem>>, vector<1x400x128xf32>
    %get3A_11 = vector.shape_cast %get3A_10 : vector<1x400x128xf32> to vector<400x128xf32>
    %add3A = arith.addf %get3A_3, %get3A_11 : vector<400x128xf32>
    %reduce_sum3A = arith.constant dense<0.000000e+00> : vector<128xf32>
    %reduce_sum3A_12 = vector.multi_reduction <add>, %add3A, %reduce_sum3A [0] : vector<400x128xf32> to vector<128xf32>
    %broadcast_in_dim3A_13 = vector.shape_cast %reduce_sum3A_12 : vector<128xf32> to vector<1x128xf32>
    %add3A_14 = arith.addf %broadcast_in_dim3A_4, %broadcast_in_dim3A_13 : vector<1x128xf32>
    %mul3A = arith.mulf %add3A, %add3A : vector<400x128xf32>
    %reduce_sum3A_15 = arith.constant dense<0.000000e+00> : vector<128xf32>
    %reduce_sum3A_16 = vector.multi_reduction <add>, %mul3A, %reduce_sum3A_15 [0] : vector<400x128xf32> to vector<128xf32>
    %broadcast_in_dim3A_17 = vector.shape_cast %reduce_sum3A_16 : vector<128xf32> to vector<1x128xf32>
    %add3A_18 = arith.addf %broadcast_in_dim3A_6, %broadcast_in_dim3A_17 : vector<1x128xf32>
    %get3A_19 = arith.constant 1 : index
    %get3A_20 = arith.constant 0 : index
    %get3A_21 = arith.constant 0 : index
    %get3A_22 = vector.load %arg2[%get3A_19, %get3A_20, %get3A_21] : memref<8x400x128xf32, #tpu.memory_space<vmem>>, vector<1x400x128xf32>
    %get3A_23 = vector.shape_cast %get3A_22 : vector<1x400x128xf32> to vector<400x128xf32>
    %add3A_24 = arith.addf %get3A_3, %get3A_23 : vector<400x128xf32>
    %reduce_sum3A_25 = arith.constant dense<0.000000e+00> : vector<128xf32>
    %reduce_sum3A_26 = vector.multi_reduction <add>, %add3A_24, %reduce_sum3A_25 [0] : vector<400x128xf32> to vector<128xf32>
    %broadcast_in_dim3A_27 = vector.shape_cast %reduce_sum3A_26 : vector<128xf32> to vector<1x128xf32>
    %add3A_28 = arith.addf %add3A_14, %broadcast_in_dim3A_27 : vector<1x128xf32>
    %mul3A_29 = arith.mulf %add3A_24, %add3A_24 : vector<400x128xf32>
    %reduce_sum3A_30 = arith.constant dense<0.000000e+00> : vector<128xf32>
    %reduce_sum3A_31 = vector.multi_reduction <add>, %mul3A_29, %reduce_sum3A_30 [0] : vector<400x128xf32> to vector<128xf32>
    %broadcast_in_dim3A_32 = vector.shape_cast %reduce_sum3A_31 : vector<128xf32> to vector<1x128xf32>
    %add3A_33 = arith.addf %add3A_18, %broadcast_in_dim3A_32 : vector<1x128xf32>
    %get3A_34 = arith.constant 2 : index
    %get3A_35 = arith.constant 0 : index
    %get3A_36 = arith.constant 0 : index
    %get3A_37 = vector.load %arg2[%get3A_34, %get3A_35, %get3A_36] : memref<8x400x128xf32, #tpu.memory_space<vmem>>, vector<1x400x128xf32>
    %get3A_38 = vector.shape_cast %get3A_37 : vector<1x400x128xf32> to vector<400x128xf32>
    %add3A_39 = arith.addf %get3A_3, %get3A_38 : vector<400x128xf32>
    %reduce_sum3A_40 = arith.constant dense<0.000000e+00> : vector<128xf32>
    %reduce_sum3A_41 = vector.multi_reduction <add>, %add3A_39, %reduce_sum3A_40 [0] : vector<400x128xf32> to vector<128xf32>
    %broadcast_in_dim3A_42 = vector.shape_cast %reduce_sum3A_41 : vector<128xf32> to vector<1x128xf32>
    %add3A_43 = arith.addf %add3A_28, %broadcast_in_dim3A_42 : vector<1x128xf32>
    %mul3A_44 = arith.mulf %add3A_39, %add3A_39 : vector<400x128xf32>
    %reduce_sum3A_45 = arith.constant dense<0.000000e+00> : vector<128xf32>
    %reduce_sum3A_46 = vector.multi_reduction <add>, %mul3A_44, %reduce_sum3A_45 [0] : vector<400x128xf32> to vector<128xf32>
    %broadcast_in_dim3A_47 = vector.shape_cast %reduce_sum3A_46 : vector<128xf32> to vector<1x128xf32>
    %add3A_48 = arith.addf %add3A_33, %broadcast_in_dim3A_47 : vector<1x128xf32>
    %get3A_49 = arith.constant 3 : index
    %get3A_50 = arith.constant 0 : index
    %get3A_51 = arith.constant 0 : index
    %get3A_52 = vector.load %arg2[%get3A_49, %get3A_50, %get3A_51] : memref<8x400x128xf32, #tpu.memory_space<vmem>>, vector<1x400x128xf32>
    %get3A_53 = vector.shape_cast %get3A_52 : vector<1x400x128xf32> to vector<400x128xf32>
    %add3A_54 = arith.addf %get3A_3, %get3A_53 : vector<400x128xf32>
    %reduce_sum3A_55 = arith.constant dense<0.000000e+00> : vector<128xf32>
    %reduce_sum3A_56 = vector.multi_reduction <add>, %add3A_54, %reduce_sum3A_55 [0] : vector<400x128xf32> to vector<128xf32>
    %broadcast_in_dim3A_57 = vector.shape_cast %reduce_sum3A_56 : vector<128xf32> to vector<1x128xf32>
    %add3A_58 = arith.addf %add3A_43, %broadcast_in_dim3A_57 : vector<1x128xf32>
    %mul3A_59 = arith.mulf %add3A_54, %add3A_54 : vector<400x128xf32>
    %reduce_sum3A_60 = arith.constant dense<0.000000e+00> : vector<128xf32>
    %reduce_sum3A_61 = vector.multi_reduction <add>, %mul3A_59, %reduce_sum3A_60 [0] : vector<400x128xf32> to vector<128xf32>
    %broadcast_in_dim3A_62 = vector.shape_cast %reduce_sum3A_61 : vector<128xf32> to vector<1x128xf32>
    %add3A_63 = arith.addf %add3A_48, %broadcast_in_dim3A_62 : vector<1x128xf32>
    %get3A_64 = arith.constant 4 : index
    %get3A_65 = arith.constant 0 : index
    %get3A_66 = arith.constant 0 : index
    %get3A_67 = vector.load %arg2[%get3A_64, %get3A_65, %get3A_66] : memref<8x400x128xf32, #tpu.memory_space<vmem>>, vector<1x400x128xf32>
    %get3A_68 = vector.shape_cast %get3A_67 : vector<1x400x128xf32> to vector<400x128xf32>
    %add3A_69 = arith.addf %get3A_3, %get3A_68 : vector<400x128xf32>
    %reduce_sum3A_70 = arith.constant dense<0.000000e+00> : vector<128xf32>
    %reduce_sum3A_71 = vector.multi_reduction <add>, %add3A_69, %reduce_sum3A_70 [0] : vector<400x128xf32> to vector<128xf32>
    %broadcast_in_dim3A_72 = vector.shape_cast %reduce_sum3A_71 : vector<128xf32> to vector<1x128xf32>
    %add3A_73 = arith.addf %add3A_58, %broadcast_in_dim3A_72 : vector<1x128xf32>
    %mul3A_74 = arith.mulf %add3A_69, %add3A_69 : vector<400x128xf32>
    %reduce_sum3A_75 = arith.constant dense<0.000000e+00> : vector<128xf32>
    %reduce_sum3A_76 = vector.multi_reduction <add>, %mul3A_74, %reduce_sum3A_75 [0] : vector<400x128xf32> to vector<128xf32>
    %broadcast_in_dim3A_77 = vector.shape_cast %reduce_sum3A_76 : vector<128xf32> to vector<1x128xf32>
    %add3A_78 = arith.addf %add3A_63, %broadcast_in_dim3A_77 : vector<1x128xf32>
    %get3A_79 = arith.constant 5 : index
    %get3A_80 = arith.constant 0 : index
    %get3A_81 = arith.constant 0 : index
    %get3A_82 = vector.load %arg2[%get3A_79, %get3A_80, %get3A_81] : memref<8x400x128xf32, #tpu.memory_space<vmem>>, vector<1x400x128xf32>
    %get3A_83 = vector.shape_cast %get3A_82 : vector<1x400x128xf32> to vector<400x128xf32>
    %add3A_84 = arith.addf %get3A_3, %get3A_83 : vector<400x128xf32>
    %reduce_sum3A_85 = arith.constant dense<0.000000e+00> : vector<128xf32>
    %reduce_sum3A_86 = vector.multi_reduction <add>, %add3A_84, %reduce_sum3A_85 [0] : vector<400x128xf32> to vector<128xf32>
    %broadcast_in_dim3A_87 = vector.shape_cast %reduce_sum3A_86 : vector<128xf32> to vector<1x128xf32>
    %add3A_88 = arith.addf %add3A_73, %broadcast_in_dim3A_87 : vector<1x128xf32>
    %mul3A_89 = arith.mulf %add3A_84, %add3A_84 : vector<400x128xf32>
    %reduce_sum3A_90 = arith.constant dense<0.000000e+00> : vector<128xf32>
    %reduce_sum3A_91 = vector.multi_reduction <add>, %mul3A_89, %reduce_sum3A_90 [0] : vector<400x128xf32> to vector<128xf32>
    %broadcast_in_dim3A_92 = vector.shape_cast %reduce_sum3A_91 : vector<128xf32> to vector<1x128xf32>
    %add3A_93 = arith.addf %add3A_78, %broadcast_in_dim3A_92 : vector<1x128xf32>
    %get3A_94 = arith.constant 6 : index
    %get3A_95 = arith.constant 0 : index
    %get3A_96 = arith.constant 0 : index
    %get3A_97 = vector.load %arg2[%get3A_94, %get3A_95, %get3A_96] : memref<8x400x128xf32, #tpu.memory_space<vmem>>, vector<1x400x128xf32>
    %get3A_98 = vector.shape_cast %get3A_97 : vector<1x400x128xf32> to vector<400x128xf32>
    %add3A_99 = arith.addf %get3A_3, %get3A_98 : vector<400x128xf32>
    %reduce_sum3A_100 = arith.constant dense<0.000000e+00> : vector<128xf32>
    %reduce_sum3A_101 = vector.multi_reduction <add>, %add3A_99, %reduce_sum3A_100 [0] : vector<400x128xf32> to vector<128xf32>
    %broadcast_in_dim3A_102 = vector.shape_cast %reduce_sum3A_101 : vector<128xf32> to vector<1x128xf32>
    %add3A_103 = arith.addf %add3A_88, %broadcast_in_dim3A_102 : vector<1x128xf32>
    %mul3A_104 = arith.mulf %add3A_99, %add3A_99 : vector<400x128xf32>
    %reduce_sum3A_105 = arith.constant dense<0.000000e+00> : vector<128xf32>
    %reduce_sum3A_106 = vector.multi_reduction <add>, %mul3A_104, %reduce_sum3A_105 [0] : vector<400x128xf32> to vector<128xf32>
    %broadcast_in_dim3A_107 = vector.shape_cast %reduce_sum3A_106 : vector<128xf32> to vector<1x128xf32>
    %add3A_108 = arith.addf %add3A_93, %broadcast_in_dim3A_107 : vector<1x128xf32>
    %get3A_109 = arith.constant 7 : index
    %get3A_110 = arith.constant 0 : index
    %get3A_111 = arith.constant 0 : index
    %get3A_112 = vector.load %arg2[%get3A_109, %get3A_110, %get3A_111] : memref<8x400x128xf32, #tpu.memory_space<vmem>>, vector<1x400x128xf32>
    %get3A_113 = vector.shape_cast %get3A_112 : vector<1x400x128xf32> to vector<400x128xf32>
    %add3A_114 = arith.addf %get3A_3, %get3A_113 : vector<400x128xf32>
    %reduce_sum3A_115 = arith.constant dense<0.000000e+00> : vector<128xf32>
    %reduce_sum3A_116 = vector.multi_reduction <add>, %add3A_114, %reduce_sum3A_115 [0] : vector<400x128xf32> to vector<128xf32>
    %broadcast_in_dim3A_117 = vector.shape_cast %reduce_sum3A_116 : vector<128xf32> to vector<1x128xf32>
    %add3A_118 = arith.addf %add3A_103, %broadcast_in_dim3A_117 : vector<1x128xf32>
    %mul3A_119 = arith.mulf %add3A_114, %add3A_114 : vector<400x128xf32>
    %reduce_sum3A_120 = arith.constant dense<0.000000e+00> : vector<128xf32>
    %reduce_sum3A_121 = vector.multi_reduction <add>, %mul3A_119, %reduce_sum3A_120 [0] : vector<400x128xf32> to vector<128xf32>
    %broadcast_in_dim3A_122 = vector.shape_cast %reduce_sum3A_121 : vector<128xf32> to vector<1x128xf32>
    %add3A_123 = arith.addf %add3A_108, %broadcast_in_dim3A_122 : vector<1x128xf32>
    %get3A_124 = arith.constant 0 : index
    %get3A_125 = arith.constant 0 : index
    %get3A_126 = vector.load %arg3[%get3A_124, %get3A_125] : memref<8x128xf32, #tpu.memory_space<vmem>>, vector<1x128xf32>
    %add3A_127 = arith.addf %get3A_126, %add3A_118 : vector<1x128xf32>
    %swap3A = arith.constant 0 : index
    %swap3A_128 = arith.constant 0 : index
    %swap3A_129 = vector.load %arg3[%swap3A, %swap3A_128] : memref<8x128xf32, #tpu.memory_space<vmem>>, vector<1x128xf32>
    tpu.vector_store %arg3[%swap3A, %swap3A_128], %add3A_127 {strides = array<i32>} : memref<8x128xf32, #tpu.memory_space<vmem>>, vector<1x128xf32>,
    %get3A_130 = arith.constant 0 : index
    %get3A_131 = arith.constant 0 : index
    %get3A_132 = vector.load %arg4[%get3A_130, %get3A_131] : memref<8x128xf32, #tpu.memory_space<vmem>>, vector<1x128xf32>
    %add3A_133 = arith.addf %get3A_132, %add3A_123 : vector<1x128xf32>
    %swap3A_134 = arith.constant 0 : index
    %swap3A_135 = arith.constant 0 : index
    %swap3A_136 = vector.load %arg4[%swap3A_134, %swap3A_135] : memref<8x128xf32, #tpu.memory_space<vmem>>, vector<1x128xf32>
    tpu.vector_store %arg4[%swap3A_134, %swap3A_135], %add3A_133 {strides = array<i32>} : memref<8x128xf32, #tpu.memory_space<vmem>>, vector<1x128xf32>,
    return
  }
  func.func @transform_0(%arg0: i32) -> (i32, i32) {
    %c0_i32 = arith.constant 0 : i32
    %c0_i32_0 = arith.constant 0 : i32
    return %arg0, %c0_i32 : i32, i32
  }
  func.func @transform_1(%arg0: i32) -> (i32, i32, i32) {
    %c0_i32 = arith.constant 0 : i32
    %c0_i32_0 = arith.constant 0 : i32
    %c0_i32_1 = arith.constant 0 : i32
    return %c0_i32, %arg0, %c0_i32_0 : i32, i32, i32
  }
  func.func @transform_2(%arg0: i32) -> (i32, i32) {
    %c0_i32 = arith.constant 0 : i32
    %c0_i32_0 = arith.constant 0 : i32
    %c0_i32_1 = arith.constant 0 : i32
    return %c0_i32, %c0_i32_0 : i32, i32
  }
  func.func @transform_3(%arg0: i32) -> (i32, i32) {
    %c0_i32 = arith.constant 0 : i32
    %c0_i32_0 = arith.constant 0 : i32
    %c0_i32_1 = arith.constant 0 : i32
    return %c0_i32, %c0_i32_0 : i32, i32
  }
}

module attributes {stable_mosaic.version = 14 : i64} {
  func.func @_edge_body(%arg0: i32, %arg1: memref<400x128xf32, #tpu.memory_space<vmem>>, %arg2: memref<8x400x128xf32, #tpu.memory_space<vmem>>, %arg3: memref<400x1xi32, #tpu.memory_space<vmem>>, %arg4: memref<8x128xf32, #tpu.memory_space<vmem>>, %arg5: memref<8x128xf32, #tpu.memory_space<vmem>>, %arg6: memref<1x128xf32, #tpu.memory_space<vmem>>, %arg7: memref<1x128xf32, #tpu.memory_space<vmem>>, %arg8: memref<128x128xf32, #tpu.memory_space<vmem>>, %arg9: memref<1x128xf32, #tpu.memory_space<vmem>>, %arg10: memref<128x128xf32, #tpu.memory_space<vmem>>, %arg11: memref<1x128xf32, #tpu.memory_space<vmem>>, %arg12: memref<128x128xf32, #tpu.memory_space<vmem>>, %arg13: memref<1x128xf32, #tpu.memory_space<vmem>>, %arg14: memref<16x128xf32, #tpu.memory_space<vmem>>, %arg15: memref<16x128xf32, #tpu.memory_space<vmem>>) attributes {dimension_semantics = [#tpu.dimension_semantics<arbitrary>], iteration_bounds = array<i64: 25>, scalar_prefetch = 0 : i64, scratch_operands = 1 : i64, tpu.core_type = #tpu.core_type<tc>, window_params = [{transform_indices = @transform_0, window_bounds = array<i64: 400, 128>}, {transform_indices = @transform_1, window_bounds = array<i64: 8, 400, 128>}, {transform_indices = @transform_2, window_bounds = array<i64: 400, 1>}, {pipeline_mode = #tpu.pipeline_mode<synchronous>, transform_indices = @transform_3, window_bounds = array<i64: 8, 128>}, {pipeline_mode = #tpu.pipeline_mode<synchronous>, transform_indices = @transform_4, window_bounds = array<i64: 8, 128>}, {pipeline_mode = #tpu.pipeline_mode<synchronous>, transform_indices = @transform_5, window_bounds = array<i64: 1, 128>}, {pipeline_mode = #tpu.pipeline_mode<synchronous>, transform_indices = @transform_6, window_bounds = array<i64: 1, 128>}, {pipeline_mode = #tpu.pipeline_mode<synchronous>, transform_indices = @transform_7, window_bounds = array<i64: 128, 128>}, {pipeline_mode = #tpu.pipeline_mode<synchronous>, transform_indices = @transform_8, window_bounds = array<i64: 1, 128>}, {pipeline_mode = #tpu.pipeline_mode<synchronous>, transform_indices = @transform_9, window_bounds = array<i64: 128, 128>}, {pipeline_mode = #tpu.pipeline_mode<synchronous>, transform_indices = @transform_10, window_bounds = array<i64: 1, 128>}, {pipeline_mode = #tpu.pipeline_mode<synchronous>, transform_indices = @transform_11, window_bounds = array<i64: 128, 128>}, {pipeline_mode = #tpu.pipeline_mode<synchronous>, transform_indices = @transform_12, window_bounds = array<i64: 1, 128>}, {pipeline_mode = #tpu.pipeline_mode<synchronous>, transform_indices = @transform_13, window_bounds = array<i64: 16, 128>}]} {
    %eq3A = arith.constant 0 : i32
    %eq3A_0 = arith.cmpi eq, %arg0, %eq3A : i32
    %convert_element_type3A = arith.extui %eq3A_0 : i1 to i32
    %cond3A = arith.constant 0 : i32
    %cond3A_1 = arith.cmpi ne, %convert_element_type3A, %cond3A : i32
    scf.if %cond3A_1 {
      %broadcast_in_dim3A_350 = arith.constant 0xFF800000 : f32
      %broadcast_in_dim3A_351 = vector.broadcast %broadcast_in_dim3A_350 : f32 to vector<16x128xf32>
      %swap3A_352 = arith.constant 0 : index
      %swap3A_353 = arith.constant 0 : index
      %swap3A_354 = vector.load %arg15[%swap3A_352, %swap3A_353] : memref<16x128xf32, #tpu.memory_space<vmem>>, vector<16x128xf32>
      tpu.vector_store %arg15[%swap3A_352, %swap3A_353], %broadcast_in_dim3A_351 {strides = array<i32>} : memref<16x128xf32, #tpu.memory_space<vmem>>, vector<16x128xf32>,
    } else {
    }
    %get3A = arith.constant 0 : index
    %get3A_2 = arith.constant 0 : index
    %get3A_3 = vector.load %arg4[%get3A, %get3A_2] : memref<8x128xf32, #tpu.memory_space<vmem>>, vector<8x128xf32>
    %reduce_sum3A = arith.constant dense<0.000000e+00> : vector<128xf32>
    %reduce_sum3A_4 = vector.multi_reduction <add>, %get3A_3, %reduce_sum3A [0] : vector<8x128xf32> to vector<128xf32>
    %broadcast_in_dim3A = vector.shape_cast %reduce_sum3A_4 : vector<128xf32> to vector<1x128xf32>
    %div3A = arith.constant 8.000000e+04 : f32
    %div3A_5 = vector.broadcast %div3A : f32 to vector<1x128xf32>
    %div3A_6 = arith.divf %broadcast_in_dim3A, %div3A_5 : vector<1x128xf32>
    %get3A_7 = arith.constant 0 : index
    %get3A_8 = arith.constant 0 : index
    %get3A_9 = vector.load %arg5[%get3A_7, %get3A_8] : memref<8x128xf32, #tpu.memory_space<vmem>>, vector<8x128xf32>
    %reduce_sum3A_10 = arith.constant dense<0.000000e+00> : vector<128xf32>
    %reduce_sum3A_11 = vector.multi_reduction <add>, %get3A_9, %reduce_sum3A_10 [0] : vector<8x128xf32> to vector<128xf32>
    %broadcast_in_dim3A_12 = vector.shape_cast %reduce_sum3A_11 : vector<128xf32> to vector<1x128xf32>
    %div3A_13 = arith.constant 8.000000e+04 : f32
    %div3A_14 = vector.broadcast %div3A_13 : f32 to vector<1x128xf32>
    %div3A_15 = arith.divf %broadcast_in_dim3A_12, %div3A_14 : vector<1x128xf32>
    %mul3A = arith.mulf %div3A_6, %div3A_6 : vector<1x128xf32>
    %sub3A = arith.subf %div3A_15, %mul3A : vector<1x128xf32>
    %get3A_16 = arith.constant 0 : index
    %get3A_17 = arith.constant 0 : index
    %get3A_18 = vector.load %arg6[%get3A_16, %get3A_17] : memref<1x128xf32, #tpu.memory_space<vmem>>, vector<1x128xf32>
    %add3A = arith.constant 9.99999974E-6 : f32
    %add3A_19 = vector.broadcast %add3A : f32 to vector<1x128xf32>
    %add3A_20 = arith.addf %sub3A, %add3A_19 : vector<1x128xf32>
    %sqrt3A = math.sqrt %add3A_20 : vector<1x128xf32>
    %div3A_21 = arith.divf %get3A_18, %sqrt3A : vector<1x128xf32>
    %get3A_22 = arith.constant 0 : index
    %get3A_23 = arith.constant 0 : index
    %get3A_24 = vector.load %arg7[%get3A_22, %get3A_23] : memref<1x128xf32, #tpu.memory_space<vmem>>, vector<1x128xf32>
    %mul3A_25 = arith.mulf %div3A_6, %div3A_21 : vector<1x128xf32>
    %sub3A_26 = arith.subf %get3A_24, %mul3A_25 : vector<1x128xf32>
    %get3A_27 = arith.constant 0 : index
    %get3A_28 = arith.constant 0 : index
    %get3A_29 = vector.load %arg1[%get3A_27, %get3A_28] : memref<400x128xf32, #tpu.memory_space<vmem>>, vector<400x128xf32>
    %get3A_30 = arith.constant 0 : index
    %get3A_31 = arith.constant 0 : index
    %get3A_32 = vector.load %arg8[%get3A_30, %get3A_31] : memref<128x128xf32, #tpu.memory_space<vmem>>, vector<128x128xf32>
    %get3A_33 = arith.constant 0 : index
    %get3A_34 = arith.constant 0 : index
    %get3A_35 = arith.constant 0 : index
    %get3A_36 = vector.load %arg2[%get3A_33, %get3A_34, %get3A_35] : memref<8x400x128xf32, #tpu.memory_space<vmem>>, vector<1x400x128xf32>
    %get3A_37 = vector.shape_cast %get3A_36 : vector<1x400x128xf32> to vector<400x128xf32>
    %add3A_38 = arith.addf %get3A_29, %get3A_37 : vector<400x128xf32>
    %mul3A_39 = vector.broadcast %div3A_21 : vector<1x128xf32> to vector<400x128xf32>
    %mul3A_40 = arith.mulf %add3A_38, %mul3A_39 : vector<400x128xf32>
    %add3A_41 = vector.broadcast %sub3A_26 : vector<1x128xf32> to vector<400x128xf32>
    %add3A_42 = arith.addf %mul3A_40, %add3A_41 : vector<400x128xf32>
    %max3A = arith.constant 0.000000e+00 : f32
    %max3A_43 = vector.broadcast %max3A : f32 to vector<400x128xf32>
    %max3A_44 = arith.maximumf %add3A_42, %max3A_43 : vector<400x128xf32>
    %dot_general3A = arith.constant dense<0.000000e+00> : vector<400x128xf32>
    %dot_general3A_45 = tpu.matmul %max3A_44, %get3A_32, %dot_general3A {dimension_numbers = #tpu.dot_dimension_numbers<[1], [0], [0], [1], [0, 0, 1, 1], [], []>, transpose_lhs_hint = false} : vector<400x128xf32>, vector<128x128xf32>, vector<400x128xf32> -> vector<400x128xf32>
    %get3A_46 = arith.constant 1 : index
    %get3A_47 = arith.constant 0 : index
    %get3A_48 = arith.constant 0 : index
    %get3A_49 = vector.load %arg2[%get3A_46, %get3A_47, %get3A_48] : memref<8x400x128xf32, #tpu.memory_space<vmem>>, vector<1x400x128xf32>
    %get3A_50 = vector.shape_cast %get3A_49 : vector<1x400x128xf32> to vector<400x128xf32>
    %add3A_51 = arith.addf %get3A_29, %get3A_50 : vector<400x128xf32>
    %mul3A_52 = vector.broadcast %div3A_21 : vector<1x128xf32> to vector<400x128xf32>
    %mul3A_53 = arith.mulf %add3A_51, %mul3A_52 : vector<400x128xf32>
    %add3A_54 = vector.broadcast %sub3A_26 : vector<1x128xf32> to vector<400x128xf32>
    %add3A_55 = arith.addf %mul3A_53, %add3A_54 : vector<400x128xf32>
    %max3A_56 = arith.constant 0.000000e+00 : f32
    %max3A_57 = vector.broadcast %max3A_56 : f32 to vector<400x128xf32>
    %max3A_58 = arith.maximumf %add3A_55, %max3A_57 : vector<400x128xf32>
    %dot_general3A_59 = arith.constant dense<0.000000e+00> : vector<400x128xf32>
    %dot_general3A_60 = tpu.matmul %max3A_58, %get3A_32, %dot_general3A_59 {dimension_numbers = #tpu.dot_dimension_numbers<[1], [0], [0], [1], [0, 0, 1, 1], [], []>, transpose_lhs_hint = false} : vector<400x128xf32>, vector<128x128xf32>, vector<400x128xf32> -> vector<400x128xf32>
    %max3A_61 = arith.maximumf %dot_general3A_45, %dot_general3A_60 : vector<400x128xf32>
    %get3A_62 = arith.constant 2 : index
    %get3A_63 = arith.constant 0 : index
    %get3A_64 = arith.constant 0 : index
    %get3A_65 = vector.load %arg2[%get3A_62, %get3A_63, %get3A_64] : memref<8x400x128xf32, #tpu.memory_space<vmem>>, vector<1x400x128xf32>
    %get3A_66 = vector.shape_cast %get3A_65 : vector<1x400x128xf32> to vector<400x128xf32>
    %add3A_67 = arith.addf %get3A_29, %get3A_66 : vector<400x128xf32>
    %mul3A_68 = vector.broadcast %div3A_21 : vector<1x128xf32> to vector<400x128xf32>
    %mul3A_69 = arith.mulf %add3A_67, %mul3A_68 : vector<400x128xf32>
    %add3A_70 = vector.broadcast %sub3A_26 : vector<1x128xf32> to vector<400x128xf32>
    %add3A_71 = arith.addf %mul3A_69, %add3A_70 : vector<400x128xf32>
    %max3A_72 = arith.constant 0.000000e+00 : f32
    %max3A_73 = vector.broadcast %max3A_72 : f32 to vector<400x128xf32>
    %max3A_74 = arith.maximumf %add3A_71, %max3A_73 : vector<400x128xf32>
    %dot_general3A_75 = arith.constant dense<0.000000e+00> : vector<400x128xf32>
    %dot_general3A_76 = tpu.matmul %max3A_74, %get3A_32, %dot_general3A_75 {dimension_numbers = #tpu.dot_dimension_numbers<[1], [0], [0], [1], [0, 0, 1, 1], [], []>, transpose_lhs_hint = false} : vector<400x128xf32>, vector<128x128xf32>, vector<400x128xf32> -> vector<400x128xf32>
    %max3A_77 = arith.maximumf %max3A_61, %dot_general3A_76 : vector<400x128xf32>
    %get3A_78 = arith.constant 3 : index
    %get3A_79 = arith.constant 0 : index
    %get3A_80 = arith.constant 0 : index
    %get3A_81 = vector.load %arg2[%get3A_78, %get3A_79, %get3A_80] : memref<8x400x128xf32, #tpu.memory_space<vmem>>, vector<1x400x128xf32>
    %get3A_82 = vector.shape_cast %get3A_81 : vector<1x400x128xf32> to vector<400x128xf32>
    %add3A_83 = arith.addf %get3A_29, %get3A_82 : vector<400x128xf32>
    %mul3A_84 = vector.broadcast %div3A_21 : vector<1x128xf32> to vector<400x128xf32>
    %mul3A_85 = arith.mulf %add3A_83, %mul3A_84 : vector<400x128xf32>
    %add3A_86 = vector.broadcast %sub3A_26 : vector<1x128xf32> to vector<400x128xf32>
    %add3A_87 = arith.addf %mul3A_85, %add3A_86 : vector<400x128xf32>
    %max3A_88 = arith.constant 0.000000e+00 : f32
    %max3A_89 = vector.broadcast %max3A_88 : f32 to vector<400x128xf32>
    %max3A_90 = arith.maximumf %add3A_87, %max3A_89 : vector<400x128xf32>
    %dot_general3A_91 = arith.constant dense<0.000000e+00> : vector<400x128xf32>
    %dot_general3A_92 = tpu.matmul %max3A_90, %get3A_32, %dot_general3A_91 {dimension_numbers = #tpu.dot_dimension_numbers<[1], [0], [0], [1], [0, 0, 1, 1], [], []>, transpose_lhs_hint = false} : vector<400x128xf32>, vector<128x128xf32>, vector<400x128xf32> -> vector<400x128xf32>
    %max3A_93 = arith.maximumf %max3A_77, %dot_general3A_92 : vector<400x128xf32>
    %get3A_94 = arith.constant 4 : index
    %get3A_95 = arith.constant 0 : index
    %get3A_96 = arith.constant 0 : index
    %get3A_97 = vector.load %arg2[%get3A_94, %get3A_95, %get3A_96] : memref<8x400x128xf32, #tpu.memory_space<vmem>>, vector<1x400x128xf32>
    %get3A_98 = vector.shape_cast %get3A_97 : vector<1x400x128xf32> to vector<400x128xf32>
    %add3A_99 = arith.addf %get3A_29, %get3A_98 : vector<400x128xf32>
    %mul3A_100 = vector.broadcast %div3A_21 : vector<1x128xf32> to vector<400x128xf32>
    %mul3A_101 = arith.mulf %add3A_99, %mul3A_100 : vector<400x128xf32>
    %add3A_102 = vector.broadcast %sub3A_26 : vector<1x128xf32> to vector<400x128xf32>
    %add3A_103 = arith.addf %mul3A_101, %add3A_102 : vector<400x128xf32>
    %max3A_104 = arith.constant 0.000000e+00 : f32
    %max3A_105 = vector.broadcast %max3A_104 : f32 to vector<400x128xf32>
    %max3A_106 = arith.maximumf %add3A_103, %max3A_105 : vector<400x128xf32>
    %dot_general3A_107 = arith.constant dense<0.000000e+00> : vector<400x128xf32>
    %dot_general3A_108 = tpu.matmul %max3A_106, %get3A_32, %dot_general3A_107 {dimension_numbers = #tpu.dot_dimension_numbers<[1], [0], [0], [1], [0, 0, 1, 1], [], []>, transpose_lhs_hint = false} : vector<400x128xf32>, vector<128x128xf32>, vector<400x128xf32> -> vector<400x128xf32>
    %max3A_109 = arith.maximumf %max3A_93, %dot_general3A_108 : vector<400x128xf32>
    %get3A_110 = arith.constant 5 : index
    %get3A_111 = arith.constant 0 : index
    %get3A_112 = arith.constant 0 : index
    %get3A_113 = vector.load %arg2[%get3A_110, %get3A_111, %get3A_112] : memref<8x400x128xf32, #tpu.memory_space<vmem>>, vector<1x400x128xf32>
    %get3A_114 = vector.shape_cast %get3A_113 : vector<1x400x128xf32> to vector<400x128xf32>
    %add3A_115 = arith.addf %get3A_29, %get3A_114 : vector<400x128xf32>
    %mul3A_116 = vector.broadcast %div3A_21 : vector<1x128xf32> to vector<400x128xf32>
    %mul3A_117 = arith.mulf %add3A_115, %mul3A_116 : vector<400x128xf32>
    %add3A_118 = vector.broadcast %sub3A_26 : vector<1x128xf32> to vector<400x128xf32>
    %add3A_119 = arith.addf %mul3A_117, %add3A_118 : vector<400x128xf32>
    %max3A_120 = arith.constant 0.000000e+00 : f32
    %max3A_121 = vector.broadcast %max3A_120 : f32 to vector<400x128xf32>
    %max3A_122 = arith.maximumf %add3A_119, %max3A_121 : vector<400x128xf32>
    %dot_general3A_123 = arith.constant dense<0.000000e+00> : vector<400x128xf32>
    %dot_general3A_124 = tpu.matmul %max3A_122, %get3A_32, %dot_general3A_123 {dimension_numbers = #tpu.dot_dimension_numbers<[1], [0], [0], [1], [0, 0, 1, 1], [], []>, transpose_lhs_hint = false} : vector<400x128xf32>, vector<128x128xf32>, vector<400x128xf32> -> vector<400x128xf32>
    %max3A_125 = arith.maximumf %max3A_109, %dot_general3A_124 : vector<400x128xf32>
    %get3A_126 = arith.constant 6 : index
    %get3A_127 = arith.constant 0 : index
    %get3A_128 = arith.constant 0 : index
    %get3A_129 = vector.load %arg2[%get3A_126, %get3A_127, %get3A_128] : memref<8x400x128xf32, #tpu.memory_space<vmem>>, vector<1x400x128xf32>
    %get3A_130 = vector.shape_cast %get3A_129 : vector<1x400x128xf32> to vector<400x128xf32>
    %add3A_131 = arith.addf %get3A_29, %get3A_130 : vector<400x128xf32>
    %mul3A_132 = vector.broadcast %div3A_21 : vector<1x128xf32> to vector<400x128xf32>
    %mul3A_133 = arith.mulf %add3A_131, %mul3A_132 : vector<400x128xf32>
    %add3A_134 = vector.broadcast %sub3A_26 : vector<1x128xf32> to vector<400x128xf32>
    %add3A_135 = arith.addf %mul3A_133, %add3A_134 : vector<400x128xf32>
    %max3A_136 = arith.constant 0.000000e+00 : f32
    %max3A_137 = vector.broadcast %max3A_136 : f32 to vector<400x128xf32>
    %max3A_138 = arith.maximumf %add3A_135, %max3A_137 : vector<400x128xf32>
    %dot_general3A_139 = arith.constant dense<0.000000e+00> : vector<400x128xf32>
    %dot_general3A_140 = tpu.matmul %max3A_138, %get3A_32, %dot_general3A_139 {dimension_numbers = #tpu.dot_dimension_numbers<[1], [0], [0], [1], [0, 0, 1, 1], [], []>, transpose_lhs_hint = false} : vector<400x128xf32>, vector<128x128xf32>, vector<400x128xf32> -> vector<400x128xf32>
    %max3A_141 = arith.maximumf %max3A_125, %dot_general3A_140 : vector<400x128xf32>
    %get3A_142 = arith.constant 7 : index
    %get3A_143 = arith.constant 0 : index
    %get3A_144 = arith.constant 0 : index
    %get3A_145 = vector.load %arg2[%get3A_142, %get3A_143, %get3A_144] : memref<8x400x128xf32, #tpu.memory_space<vmem>>, vector<1x400x128xf32>
    %get3A_146 = vector.shape_cast %get3A_145 : vector<1x400x128xf32> to vector<400x128xf32>
    %add3A_147 = arith.addf %get3A_29, %get3A_146 : vector<400x128xf32>
    %mul3A_148 = vector.broadcast %div3A_21 : vector<1x128xf32> to vector<400x128xf32>
    %mul3A_149 = arith.mulf %add3A_147, %mul3A_148 : vector<400x128xf32>
    %add3A_150 = vector.broadcast %sub3A_26 : vector<1x128xf32> to vector<400x128xf32>
    %add3A_151 = arith.addf %mul3A_149, %add3A_150 : vector<400x128xf32>
    %max3A_152 = arith.constant 0.000000e+00 : f32
    %max3A_153 = vector.broadcast %max3A_152 : f32 to vector<400x128xf32>
    %max3A_154 = arith.maximumf %add3A_151, %max3A_153 : vector<400x128xf32>
    %dot_general3A_155 = arith.constant dense<0.000000e+00> : vector<400x128xf32>
    %dot_general3A_156 = tpu.matmul %max3A_154, %get3A_32, %dot_general3A_155 {dimension_numbers = #tpu.dot_dimension_numbers<[1], [0], [0], [1], [0, 0, 1, 1], [], []>, transpose_lhs_hint = false} : vector<400x128xf32>, vector<128x128xf32>, vector<400x128xf32> -> vector<400x128xf32>
    %max3A_157 = arith.maximumf %max3A_141, %dot_general3A_156 : vector<400x128xf32>
    %get3A_158 = arith.constant 0 : index
    %get3A_159 = arith.constant 0 : index
    %get3A_160 = vector.load %arg9[%get3A_158, %get3A_159] : memref<1x128xf32, #tpu.memory_space<vmem>>, vector<1x128xf32>
    %add3A_161 = vector.broadcast %get3A_160 : vector<1x128xf32> to vector<400x128xf32>
    %add3A_162 = arith.addf %max3A_157, %add3A_161 : vector<400x128xf32>
    %get3A_163 = arith.constant 0 : index
    %get3A_164 = arith.constant 0 : index
    %get3A_165 = vector.load %arg3[%get3A_163, %get3A_164] : memref<400x1xi32, #tpu.memory_space<vmem>>, vector<400x1xi32>
    %eq3A_166 = arith.constant 0 : i32
    %eq3A_167 = vector.broadcast %eq3A_166 : i32 to vector<400x1xi32>
    %eq3A_168 = arith.cmpi eq, %get3A_165, %eq3A_167 : vector<400x1xi32>
    %jit3A = arith.constant 0xFF800000 : f32
    %broadcast_in_dim3A_169 = vector.shape_cast %eq3A_168 : vector<400x1xi1> to vector<400x1xi1>
    %broadcast_in_dim3A_170 = vector.broadcast %broadcast_in_dim3A_169 : vector<400x1xi1> to vector<400x128xi1>
    %broadcast_in_dim3A_171 = vector.broadcast %jit3A : f32 to vector<400x128xf32>
    %select_n3A = arith.select %broadcast_in_dim3A_170, %add3A_162, %broadcast_in_dim3A_171 : vector<400x128xi1>, vector<400x128xf32>
    %reduce_max3A = arith.constant dense<0xFF800000> : vector<128xf32>
    %reduce_max3A_172 = vector.multi_reduction <maximumf>, %select_n3A, %reduce_max3A [0] : vector<400x128xf32> to vector<128xf32>
    %broadcast_in_dim3A_173 = vector.shape_cast %reduce_max3A_172 : vector<128xf32> to vector<1x128xf32>
    %eq3A_174 = arith.constant 1 : i32
    %eq3A_175 = vector.broadcast %eq3A_174 : i32 to vector<400x1xi32>
    %eq3A_176 = arith.cmpi eq, %get3A_165, %eq3A_175 : vector<400x1xi32>
    %jit3A_177 = arith.constant 0xFF800000 : f32
    %broadcast_in_dim3A_178 = vector.shape_cast %eq3A_176 : vector<400x1xi1> to vector<400x1xi1>
    %broadcast_in_dim3A_179 = vector.broadcast %broadcast_in_dim3A_178 : vector<400x1xi1> to vector<400x128xi1>
    %broadcast_in_dim3A_180 = vector.broadcast %jit3A_177 : f32 to vector<400x128xf32>
    %select_n3A_181 = arith.select %broadcast_in_dim3A_179, %add3A_162, %broadcast_in_dim3A_180 : vector<400x128xi1>, vector<400x128xf32>
    %reduce_max3A_182 = arith.constant dense<0xFF800000> : vector<128xf32>
    %reduce_max3A_183 = vector.multi_reduction <maximumf>, %select_n3A_181, %reduce_max3A_182 [0] : vector<400x128xf32> to vector<128xf32>
    %broadcast_in_dim3A_184 = vector.shape_cast %reduce_max3A_183 : vector<128xf32> to vector<1x128xf32>
    %eq3A_185 = arith.constant 2 : i32
    %eq3A_186 = vector.broadcast %eq3A_185 : i32 to vector<400x1xi32>
    %eq3A_187 = arith.cmpi eq, %get3A_165, %eq3A_186 : vector<400x1xi32>
    %jit3A_188 = arith.constant 0xFF800000 : f32
    %broadcast_in_dim3A_189 = vector.shape_cast %eq3A_187 : vector<400x1xi1> to vector<400x1xi1>
    %broadcast_in_dim3A_190 = vector.broadcast %broadcast_in_dim3A_189 : vector<400x1xi1> to vector<400x128xi1>
    %broadcast_in_dim3A_191 = vector.broadcast %jit3A_188 : f32 to vector<400x128xf32>
    %select_n3A_192 = arith.select %broadcast_in_dim3A_190, %add3A_162, %broadcast_in_dim3A_191 : vector<400x128xi1>, vector<400x128xf32>
    %reduce_max3A_193 = arith.constant dense<0xFF800000> : vector<128xf32>
    %reduce_max3A_194 = vector.multi_reduction <maximumf>, %select_n3A_192, %reduce_max3A_193 [0] : vector<400x128xf32> to vector<128xf32>
    %broadcast_in_dim3A_195 = vector.shape_cast %reduce_max3A_194 : vector<128xf32> to vector<1x128xf32>
    %eq3A_196 = arith.constant 3 : i32
    %eq3A_197 = vector.broadcast %eq3A_196 : i32 to vector<400x1xi32>
    %eq3A_198 = arith.cmpi eq, %get3A_165, %eq3A_197 : vector<400x1xi32>
    %jit3A_199 = arith.constant 0xFF800000 : f32
    %broadcast_in_dim3A_200 = vector.shape_cast %eq3A_198 : vector<400x1xi1> to vector<400x1xi1>
    %broadcast_in_dim3A_201 = vector.broadcast %broadcast_in_dim3A_200 : vector<400x1xi1> to vector<400x128xi1>
    %broadcast_in_dim3A_202 = vector.broadcast %jit3A_199 : f32 to vector<400x128xf32>
    %select_n3A_203 = arith.select %broadcast_in_dim3A_201, %add3A_162, %broadcast_in_dim3A_202 : vector<400x128xi1>, vector<400x128xf32>
    %reduce_max3A_204 = arith.constant dense<0xFF800000> : vector<128xf32>
    %reduce_max3A_205 = vector.multi_reduction <maximumf>, %select_n3A_203, %reduce_max3A_204 [0] : vector<400x128xf32> to vector<128xf32>
    %broadcast_in_dim3A_206 = vector.shape_cast %reduce_max3A_205 : vector<128xf32> to vector<1x128xf32>
    %eq3A_207 = arith.constant 4 : i32
    %eq3A_208 = vector.broadcast %eq3A_207 : i32 to vector<400x1xi32>
    %eq3A_209 = arith.cmpi eq, %get3A_165, %eq3A_208 : vector<400x1xi32>
    %jit3A_210 = arith.constant 0xFF800000 : f32
    %broadcast_in_dim3A_211 = vector.shape_cast %eq3A_209 : vector<400x1xi1> to vector<400x1xi1>
    %broadcast_in_dim3A_212 = vector.broadcast %broadcast_in_dim3A_211 : vector<400x1xi1> to vector<400x128xi1>
    %broadcast_in_dim3A_213 = vector.broadcast %jit3A_210 : f32 to vector<400x128xf32>
    %select_n3A_214 = arith.select %broadcast_in_dim3A_212, %add3A_162, %broadcast_in_dim3A_213 : vector<400x128xi1>, vector<400x128xf32>
    %reduce_max3A_215 = arith.constant dense<0xFF800000> : vector<128xf32>
    %reduce_max3A_216 = vector.multi_reduction <maximumf>, %select_n3A_214, %reduce_max3A_215 [0] : vector<400x128xf32> to vector<128xf32>
    %broadcast_in_dim3A_217 = vector.shape_cast %reduce_max3A_216 : vector<128xf32> to vector<1x128xf32>
    %eq3A_218 = arith.constant 5 : i32
    %eq3A_219 = vector.broadcast %eq3A_218 : i32 to vector<400x1xi32>
    %eq3A_220 = arith.cmpi eq, %get3A_165, %eq3A_219 : vector<400x1xi32>
    %jit3A_221 = arith.constant 0xFF800000 : f32
    %broadcast_in_dim3A_222 = vector.shape_cast %eq3A_220 : vector<400x1xi1> to vector<400x1xi1>
    %broadcast_in_dim3A_223 = vector.broadcast %broadcast_in_dim3A_222 : vector<400x1xi1> to vector<400x128xi1>
    %broadcast_in_dim3A_224 = vector.broadcast %jit3A_221 : f32 to vector<400x128xf32>
    %select_n3A_225 = arith.select %broadcast_in_dim3A_223, %add3A_162, %broadcast_in_dim3A_224 : vector<400x128xi1>, vector<400x128xf32>
    %reduce_max3A_226 = arith.constant dense<0xFF800000> : vector<128xf32>
    %reduce_max3A_227 = vector.multi_reduction <maximumf>, %select_n3A_225, %reduce_max3A_226 [0] : vector<400x128xf32> to vector<128xf32>
    %broadcast_in_dim3A_228 = vector.shape_cast %reduce_max3A_227 : vector<128xf32> to vector<1x128xf32>
    %eq3A_229 = arith.constant 6 : i32
    %eq3A_230 = vector.broadcast %eq3A_229 : i32 to vector<400x1xi32>
    %eq3A_231 = arith.cmpi eq, %get3A_165, %eq3A_230 : vector<400x1xi32>
    %jit3A_232 = arith.constant 0xFF800000 : f32
    %broadcast_in_dim3A_233 = vector.shape_cast %eq3A_231 : vector<400x1xi1> to vector<400x1xi1>
    %broadcast_in_dim3A_234 = vector.broadcast %broadcast_in_dim3A_233 : vector<400x1xi1> to vector<400x128xi1>
    %broadcast_in_dim3A_235 = vector.broadcast %jit3A_232 : f32 to vector<400x128xf32>
    %select_n3A_236 = arith.select %broadcast_in_dim3A_234, %add3A_162, %broadcast_in_dim3A_235 : vector<400x128xi1>, vector<400x128xf32>
    %reduce_max3A_237 = arith.constant dense<0xFF800000> : vector<128xf32>
    %reduce_max3A_238 = vector.multi_reduction <maximumf>, %select_n3A_236, %reduce_max3A_237 [0] : vector<400x128xf32> to vector<128xf32>
    %broadcast_in_dim3A_239 = vector.shape_cast %reduce_max3A_238 : vector<128xf32> to vector<1x128xf32>
    %eq3A_240 = arith.constant 7 : i32
    %eq3A_241 = vector.broadcast %eq3A_240 : i32 to vector<400x1xi32>
    %eq3A_242 = arith.cmpi eq, %get3A_165, %eq3A_241 : vector<400x1xi32>
    %jit3A_243 = arith.constant 0xFF800000 : f32
    %broadcast_in_dim3A_244 = vector.shape_cast %eq3A_242 : vector<400x1xi1> to vector<400x1xi1>
    %broadcast_in_dim3A_245 = vector.broadcast %broadcast_in_dim3A_244 : vector<400x1xi1> to vector<400x128xi1>
    %broadcast_in_dim3A_246 = vector.broadcast %jit3A_243 : f32 to vector<400x128xf32>
    %select_n3A_247 = arith.select %broadcast_in_dim3A_245, %add3A_162, %broadcast_in_dim3A_246 : vector<400x128xi1>, vector<400x128xf32>
    %reduce_max3A_248 = arith.constant dense<0xFF800000> : vector<128xf32>
    %reduce_max3A_249 = vector.multi_reduction <maximumf>, %select_n3A_247, %reduce_max3A_248 [0] : vector<400x128xf32> to vector<128xf32>
    %broadcast_in_dim3A_250 = vector.shape_cast %reduce_max3A_249 : vector<128xf32> to vector<1x128xf32>
    %eq3A_251 = arith.constant 8 : i32
    %eq3A_252 = vector.broadcast %eq3A_251 : i32 to vector<400x1xi32>
    %eq3A_253 = arith.cmpi eq, %get3A_165, %eq3A_252 : vector<400x1xi32>
    %jit3A_254 = arith.constant 0xFF800000 : f32
    %broadcast_in_dim3A_255 = vector.shape_cast %eq3A_253 : vector<400x1xi1> to vector<400x1xi1>
    %broadcast_in_dim3A_256 = vector.broadcast %broadcast_in_dim3A_255 : vector<400x1xi1> to vector<400x128xi1>
    %broadcast_in_dim3A_257 = vector.broadcast %jit3A_254 : f32 to vector<400x128xf32>
    %select_n3A_258 = arith.select %broadcast_in_dim3A_256, %add3A_162, %broadcast_in_dim3A_257 : vector<400x128xi1>, vector<400x128xf32>
    %reduce_max3A_259 = arith.constant dense<0xFF800000> : vector<128xf32>
    %reduce_max3A_260 = vector.multi_reduction <maximumf>, %select_n3A_258, %reduce_max3A_259 [0] : vector<400x128xf32> to vector<128xf32>
    %broadcast_in_dim3A_261 = vector.shape_cast %reduce_max3A_260 : vector<128xf32> to vector<1x128xf32>
    %eq3A_262 = arith.constant 9 : i32
    %eq3A_263 = vector.broadcast %eq3A_262 : i32 to vector<400x1xi32>
    %eq3A_264 = arith.cmpi eq, %get3A_165, %eq3A_263 : vector<400x1xi32>
    %jit3A_265 = arith.constant 0xFF800000 : f32
    %broadcast_in_dim3A_266 = vector.shape_cast %eq3A_264 : vector<400x1xi1> to vector<400x1xi1>
    %broadcast_in_dim3A_267 = vector.broadcast %broadcast_in_dim3A_266 : vector<400x1xi1> to vector<400x128xi1>
    %broadcast_in_dim3A_268 = vector.broadcast %jit3A_265 : f32 to vector<400x128xf32>
    %select_n3A_269 = arith.select %broadcast_in_dim3A_267, %add3A_162, %broadcast_in_dim3A_268 : vector<400x128xi1>, vector<400x128xf32>
    %reduce_max3A_270 = arith.constant dense<0xFF800000> : vector<128xf32>
    %reduce_max3A_271 = vector.multi_reduction <maximumf>, %select_n3A_269, %reduce_max3A_270 [0] : vector<400x128xf32> to vector<128xf32>
    %broadcast_in_dim3A_272 = vector.shape_cast %reduce_max3A_271 : vector<128xf32> to vector<1x128xf32>
    %eq3A_273 = arith.constant 10 : i32
    %eq3A_274 = vector.broadcast %eq3A_273 : i32 to vector<400x1xi32>
    %eq3A_275 = arith.cmpi eq, %get3A_165, %eq3A_274 : vector<400x1xi32>
    %jit3A_276 = arith.constant 0xFF800000 : f32
    %broadcast_in_dim3A_277 = vector.shape_cast %eq3A_275 : vector<400x1xi1> to vector<400x1xi1>
    %broadcast_in_dim3A_278 = vector.broadcast %broadcast_in_dim3A_277 : vector<400x1xi1> to vector<400x128xi1>
    %broadcast_in_dim3A_279 = vector.broadcast %jit3A_276 : f32 to vector<400x128xf32>
    %select_n3A_280 = arith.select %broadcast_in_dim3A_278, %add3A_162, %broadcast_in_dim3A_279 : vector<400x128xi1>, vector<400x128xf32>
    %reduce_max3A_281 = arith.constant dense<0xFF800000> : vector<128xf32>
    %reduce_max3A_282 = vector.multi_reduction <maximumf>, %select_n3A_280, %reduce_max3A_281 [0] : vector<400x128xf32> to vector<128xf32>
    %broadcast_in_dim3A_283 = vector.shape_cast %reduce_max3A_282 : vector<128xf32> to vector<1x128xf32>
    %eq3A_284 = arith.constant 11 : i32
    %eq3A_285 = vector.broadcast %eq3A_284 : i32 to vector<400x1xi32>
    %eq3A_286 = arith.cmpi eq, %get3A_165, %eq3A_285 : vector<400x1xi32>
    %jit3A_287 = arith.constant 0xFF800000 : f32
    %broadcast_in_dim3A_288 = vector.shape_cast %eq3A_286 : vector<400x1xi1> to vector<400x1xi1>
    %broadcast_in_dim3A_289 = vector.broadcast %broadcast_in_dim3A_288 : vector<400x1xi1> to vector<400x128xi1>
    %broadcast_in_dim3A_290 = vector.broadcast %jit3A_287 : f32 to vector<400x128xf32>
    %select_n3A_291 = arith.select %broadcast_in_dim3A_289, %add3A_162, %broadcast_in_dim3A_290 : vector<400x128xi1>, vector<400x128xf32>
    %reduce_max3A_292 = arith.constant dense<0xFF800000> : vector<128xf32>
    %reduce_max3A_293 = vector.multi_reduction <maximumf>, %select_n3A_291, %reduce_max3A_292 [0] : vector<400x128xf32> to vector<128xf32>
    %broadcast_in_dim3A_294 = vector.shape_cast %reduce_max3A_293 : vector<128xf32> to vector<1x128xf32>
    %eq3A_295 = arith.constant 12 : i32
    %eq3A_296 = vector.broadcast %eq3A_295 : i32 to vector<400x1xi32>
    %eq3A_297 = arith.cmpi eq, %get3A_165, %eq3A_296 : vector<400x1xi32>
    %jit3A_298 = arith.constant 0xFF800000 : f32
    %broadcast_in_dim3A_299 = vector.shape_cast %eq3A_297 : vector<400x1xi1> to vector<400x1xi1>
    %broadcast_in_dim3A_300 = vector.broadcast %broadcast_in_dim3A_299 : vector<400x1xi1> to vector<400x128xi1>
    %broadcast_in_dim3A_301 = vector.broadcast %jit3A_298 : f32 to vector<400x128xf32>
    %select_n3A_302 = arith.select %broadcast_in_dim3A_300, %add3A_162, %broadcast_in_dim3A_301 : vector<400x128xi1>, vector<400x128xf32>
    %reduce_max3A_303 = arith.constant dense<0xFF800000> : vector<128xf32>
    %reduce_max3A_304 = vector.multi_reduction <maximumf>, %select_n3A_302, %reduce_max3A_303 [0] : vector<400x128xf32> to vector<128xf32>
    %broadcast_in_dim3A_305 = vector.shape_cast %reduce_max3A_304 : vector<128xf32> to vector<1x128xf32>
    %eq3A_306 = arith.constant 13 : i32
    %eq3A_307 = vector.broadcast %eq3A_306 : i32 to vector<400x1xi32>
    %eq3A_308 = arith.cmpi eq, %get3A_165, %eq3A_307 : vector<400x1xi32>
    %jit3A_309 = arith.constant 0xFF800000 : f32
    %broadcast_in_dim3A_310 = vector.shape_cast %eq3A_308 : vector<400x1xi1> to vector<400x1xi1>
    %broadcast_in_dim3A_311 = vector.broadcast %broadcast_in_dim3A_310 : vector<400x1xi1> to vector<400x128xi1>
    %broadcast_in_dim3A_312 = vector.broadcast %jit3A_309 : f32 to vector<400x128xf32>
    %select_n3A_313 = arith.select %broadcast_in_dim3A_311, %add3A_162, %broadcast_in_dim3A_312 : vector<400x128xi1>, vector<400x128xf32>
    %reduce_max3A_314 = arith.constant dense<0xFF800000> : vector<128xf32>
    %reduce_max3A_315 = vector.multi_reduction <maximumf>, %select_n3A_313, %reduce_max3A_314 [0] : vector<400x128xf32> to vector<128xf32>
    %broadcast_in_dim3A_316 = vector.shape_cast %reduce_max3A_315 : vector<128xf32> to vector<1x128xf32>
    %eq3A_317 = arith.constant 14 : i32
    %eq3A_318 = vector.broadcast %eq3A_317 : i32 to vector<400x1xi32>
    %eq3A_319 = arith.cmpi eq, %get3A_165, %eq3A_318 : vector<400x1xi32>
    %jit3A_320 = arith.constant 0xFF800000 : f32
    %broadcast_in_dim3A_321 = vector.shape_cast %eq3A_319 : vector<400x1xi1> to vector<400x1xi1>
    %broadcast_in_dim3A_322 = vector.broadcast %broadcast_in_dim3A_321 : vector<400x1xi1> to vector<400x128xi1>
    %broadcast_in_dim3A_323 = vector.broadcast %jit3A_320 : f32 to vector<400x128xf32>
    %select_n3A_324 = arith.select %broadcast_in_dim3A_322, %add3A_162, %broadcast_in_dim3A_323 : vector<400x128xi1>, vector<400x128xf32>
    %reduce_max3A_325 = arith.constant dense<0xFF800000> : vector<128xf32>
    %reduce_max3A_326 = vector.multi_reduction <maximumf>, %select_n3A_324, %reduce_max3A_325 [0] : vector<400x128xf32> to vector<128xf32>
    %broadcast_in_dim3A_327 = vector.shape_cast %reduce_max3A_326 : vector<128xf32> to vector<1x128xf32>
    %eq3A_328 = arith.constant 15 : i32
    %eq3A_329 = vector.broadcast %eq3A_328 : i32 to vector<400x1xi32>
    %eq3A_330 = arith.cmpi eq, %get3A_165, %eq3A_329 : vector<400x1xi32>
    %jit3A_331 = arith.constant 0xFF800000 : f32
    %broadcast_in_dim3A_332 = vector.shape_cast %eq3A_330 : vector<400x1xi1> to vector<400x1xi1>
    %broadcast_in_dim3A_333 = vector.broadcast %broadcast_in_dim3A_332 : vector<400x1xi1> to vector<400x128xi1>
    %broadcast_in_dim3A_334 = vector.broadcast %jit3A_331 : f32 to vector<400x128xf32>
    %select_n3A_335 = arith.select %broadcast_in_dim3A_333, %add3A_162, %broadcast_in_dim3A_334 : vector<400x128xi1>, vector<400x128xf32>
    %reduce_max3A_336 = arith.constant dense<0xFF800000> : vector<128xf32>
    %reduce_max3A_337 = vector.multi_reduction <maximumf>, %select_n3A_335, %reduce_max3A_336 [0] : vector<400x128xf32> to vector<128xf32>
    %broadcast_in_dim3A_338 = vector.shape_cast %reduce_max3A_337 : vector<128xf32> to vector<1x128xf32>
    %get3A_339 = arith.constant 0 : index
    %get3A_340 = arith.constant 0 : index
    %get3A_341 = vector.load %arg15[%get3A_339, %get3A_340] : memref<16x128xf32, #tpu.memory_space<vmem>>, vector<16x128xf32>
    %concatenate3A = tpu.concatenate %broadcast_in_dim3A_173, %broadcast_in_dim3A_184, %broadcast_in_dim3A_195, %broadcast_in_dim3A_206, %broadcast_in_dim3A_217, %broadcast_in_dim3A_228, %broadcast_in_dim3A_239, %broadcast_in_dim3A_250, %broadcast_in_dim3A_261, %broadcast_in_dim3A_272, %broadcast_in_dim3A_283, %broadcast_in_dim3A_294, %broadcast_in_dim3A_305, %broadcast_in_dim3A_316, %broadcast_in_dim3A_327, %broadcast_in_dim3A_338 in 0 : vector<1x128xf32>, vector<1x128xf32>, vector<1x128xf32>, vector<1x128xf32>, vector<1x128xf32>, vector<1x128xf32>, vector<1x128xf32>, vector<1x128xf32>, vector<1x128xf32>, vector<1x128xf32>, vector<1x128xf32>, vector<1x128xf32>, vector<1x128xf32>, vector<1x128xf32>, vector<1x128xf32>, vector<1x128xf32> -> vector<16x128xf32>
    %max3A_342 = arith.maximumf %get3A_341, %concatenate3A : vector<16x128xf32>
    %swap3A = arith.constant 0 : index
    %swap3A_343 = arith.constant 0 : index
    %swap3A_344 = vector.load %arg15[%swap3A, %swap3A_343] : memref<16x128xf32, #tpu.memory_space<vmem>>, vector<16x128xf32>
    tpu.vector_store %arg15[%swap3A, %swap3A_343], %max3A_342 {strides = array<i32>} : memref<16x128xf32, #tpu.memory_space<vmem>>, vector<16x128xf32>,
    %eq3A_345 = arith.constant 24 : i32
    %eq3A_346 = arith.cmpi eq, %arg0, %eq3A_345 : i32
    %convert_element_type3A_347 = arith.extui %eq3A_346 : i1 to i32
    %cond3A_348 = arith.constant 0 : i32
    %cond3A_349 = arith.cmpi ne, %convert_element_type3A_347, %cond3A_348 : i32
    scf.if %cond3A_349 {
      %get3A_350 = arith.constant 0 : index
      %get3A_351 = arith.constant 0 : index
      %get3A_352 = vector.load %arg15[%get3A_350, %get3A_351] : memref<16x128xf32, #tpu.memory_space<vmem>>, vector<16x128xf32>
      %get3A_353 = arith.constant 0 : index
      %get3A_354 = arith.constant 0 : index
      %get3A_355 = vector.load %arg10[%get3A_353, %get3A_354] : memref<128x128xf32, #tpu.memory_space<vmem>>, vector<128x128xf32>
      %dot_general3A_356 = arith.constant dense<0.000000e+00> : vector<16x128xf32>
      %dot_general3A_357 = tpu.matmul %get3A_352, %get3A_355, %dot_general3A_356 {dimension_numbers = #tpu.dot_dimension_numbers<[1], [0], [0], [1], [0, 0, 1, 1], [], []>, transpose_lhs_hint = false} : vector<16x128xf32>, vector<128x128xf32>, vector<16x128xf32> -> vector<16x128xf32>
      %get3A_358 = arith.constant 0 : index
      %get3A_359 = arith.constant 0 : index
      %get3A_360 = vector.load %arg11[%get3A_358, %get3A_359] : memref<1x128xf32, #tpu.memory_space<vmem>>, vector<1x128xf32>
      %add3A_361 = vector.broadcast %get3A_360 : vector<1x128xf32> to vector<16x128xf32>
      %add3A_362 = arith.addf %dot_general3A_357, %add3A_361 : vector<16x128xf32>
      %max3A_363 = arith.constant 0.000000e+00 : f32
      %max3A_364 = vector.broadcast %max3A_363 : f32 to vector<16x128xf32>
      %max3A_365 = arith.maximumf %add3A_362, %max3A_364 : vector<16x128xf32>
      %get3A_366 = arith.constant 0 : index
      %get3A_367 = arith.constant 0 : index
      %get3A_368 = vector.load %arg12[%get3A_366, %get3A_367] : memref<128x128xf32, #tpu.memory_space<vmem>>, vector<128x128xf32>
      %dot_general3A_369 = arith.constant dense<0.000000e+00> : vector<16x128xf32>
      %dot_general3A_370 = tpu.matmul %max3A_365, %get3A_368, %dot_general3A_369 {dimension_numbers = #tpu.dot_dimension_numbers<[1], [0], [0], [1], [0, 0, 1, 1], [], []>, transpose_lhs_hint = false} : vector<16x128xf32>, vector<128x128xf32>, vector<16x128xf32> -> vector<16x128xf32>
      %get3A_371 = arith.constant 0 : index
      %get3A_372 = arith.constant 0 : index
      %get3A_373 = vector.load %arg13[%get3A_371, %get3A_372] : memref<1x128xf32, #tpu.memory_space<vmem>>, vector<1x128xf32>
      %add3A_374 = vector.broadcast %get3A_373 : vector<1x128xf32> to vector<16x128xf32>
      %add3A_375 = arith.addf %dot_general3A_370, %add3A_374 : vector<16x128xf32>
      %mul3A_376 = arith.mulf %add3A_375, %add3A_375 : vector<16x128xf32>
      %reduce_sum3A_377 = arith.constant dense<0.000000e+00> : vector<16xf32>
      %reduce_sum3A_378 = vector.multi_reduction <add>, %mul3A_376, %reduce_sum3A_377 [1] : vector<16x128xf32> to vector<16xf32>
      %broadcast_in_dim3A_379 = vector.shape_cast %reduce_sum3A_378 : vector<16xf32> to vector<16x1xf32>
      %sqrt3A_380 = math.sqrt %broadcast_in_dim3A_379 : vector<16x1xf32>
      %jit3A_381 = arith.constant 9.99999996E-13 : f32
      %max3A_382 = vector.broadcast %jit3A_381 : f32 to vector<16x1xf32>
      %max3A_383 = arith.maximumf %max3A_382, %sqrt3A_380 : vector<16x1xf32>
      %div3A_384 = vector.broadcast %max3A_383 : vector<16x1xf32> to vector<16x128xf32>
      %div3A_385 = arith.divf %add3A_375, %div3A_384 : vector<16x128xf32>
      %swap3A_386 = arith.constant 0 : index
      %swap3A_387 = arith.constant 0 : index
      %swap3A_388 = vector.load %arg14[%swap3A_386, %swap3A_387] : memref<16x128xf32, #tpu.memory_space<vmem>>, vector<16x128xf32>
      tpu.vector_store %arg14[%swap3A_386, %swap3A_387], %div3A_385 {strides = array<i32>} : memref<16x128xf32, #tpu.memory_space<vmem>>, vector<16x128xf32>,
    } else {
    }
    return
  }
  func.func @transform_0(%arg0: i32) -> (i32, i32) {
    %c0_i32 = arith.constant 0 : i32
    %c0_i32_0 = arith.constant 0 : i32
    return %arg0, %c0_i32 : i32, i32
  }
  func.func @transform_1(%arg0: i32) -> (i32, i32, i32) {
    %c0_i32 = arith.constant 0 : i32
    %c0_i32_0 = arith.constant 0 : i32
    %c0_i32_1 = arith.constant 0 : i32
    return %c0_i32, %arg0, %c0_i32_0 : i32, i32, i32
  }
  func.func @transform_2(%arg0: i32) -> (i32, i32) {
    %c0_i32 = arith.constant 0 : i32
    %c0_i32_0 = arith.constant 0 : i32
    return %arg0, %c0_i32 : i32, i32
  }
  func.func @transform_3(%arg0: i32) -> (i32, i32) {
    %c0_i32 = arith.constant 0 : i32
    %c0_i32_0 = arith.constant 0 : i32
    %c0_i32_1 = arith.constant 0 : i32
    return %c0_i32, %c0_i32_0 : i32, i32
  }
  func.func @transform_4(%arg0: i32) -> (i32, i32) {
    %c0_i32 = arith.constant 0 : i32
    %c0_i32_0 = arith.constant 0 : i32
    %c0_i32_1 = arith.constant 0 : i32
    return %c0_i32, %c0_i32_0 : i32, i32
  }
  func.func @transform_5(%arg0: i32) -> (i32, i32) {
    %c0_i32 = arith.constant 0 : i32
    %c0_i32_0 = arith.constant 0 : i32
    %c0_i32_1 = arith.constant 0 : i32
    return %c0_i32, %c0_i32_0 : i32, i32
  }
  func.func @transform_6(%arg0: i32) -> (i32, i32) {
    %c0_i32 = arith.constant 0 : i32
    %c0_i32_0 = arith.constant 0 : i32
    %c0_i32_1 = arith.constant 0 : i32
    return %c0_i32, %c0_i32_0 : i32, i32
  }
  func.func @transform_7(%arg0: i32) -> (i32, i32) {
    %c0_i32 = arith.constant 0 : i32
    %c0_i32_0 = arith.constant 0 : i32
    %c0_i32_1 = arith.constant 0 : i32
    return %c0_i32, %c0_i32_0 : i32, i32
  }
  func.func @transform_8(%arg0: i32) -> (i32, i32) {
    %c0_i32 = arith.constant 0 : i32
    %c0_i32_0 = arith.constant 0 : i32
    %c0_i32_1 = arith.constant 0 : i32
    return %c0_i32, %c0_i32_0 : i32, i32
  }
  func.func @transform_9(%arg0: i32) -> (i32, i32) {
    %c0_i32 = arith.constant 0 : i32
    %c0_i32_0 = arith.constant 0 : i32
    %c0_i32_1 = arith.constant 0 : i32
    return %c0_i32, %c0_i32_0 : i32, i32
  }
  func.func @transform_10(%arg0: i32) -> (i32, i32) {
    %c0_i32 = arith.constant 0 : i32
    %c0_i32_0 = arith.constant 0 : i32
    %c0_i32_1 = arith.constant 0 : i32
    return %c0_i32, %c0_i32_0 : i32, i32
  }
  func.func @transform_11(%arg0: i32) -> (i32, i32) {
    %c0_i32 = arith.constant 0 : i32
    %c0_i32_0 = arith.constant 0 : i32
    %c0_i32_1 = arith.constant 0 : i32
    return %c0_i32, %c0_i32_0 : i32, i32
  }
  func.func @transform_12(%arg0: i32) -> (i32, i32) {
    %c0_i32 = arith.constant 0 : i32
    %c0_i32_0 = arith.constant 0 : i32
    %c0_i32_1 = arith.constant 0 : i32
    return %c0_i32, %c0_i32_0 : i32, i32
  }
  func.func @transform_13(%arg0: i32) -> (i32, i32) {
    %c0_i32 = arith.constant 0 : i32
    %c0_i32_0 = arith.constant 0 : i32
    %c0_i32_1 = arith.constant 0 : i32
    return %c0_i32, %c0_i32_0 : i32, i32
  }
}

</mosaic_0001>

<sc_bundles>
// kernel: kernel.7.cloned.1.call-start
scs
__scs_entry_jumppad:
0x0: {  	(pc) =	sbr.rel $0x88, $3  }
0x1: {  	(tag) =	ssettag $0x0;
	lr =	simm.s32 $0x1  }
0x2: {  	[smem:$0x3F95] =	sst lr;
	_ =	strace $0xD0000000  }
0x3: {  	_ = 	snop  }
0x4: {  	_ = 	snop  }
0x5: {  	_ = 	snop  }
0x6: {  	_ = 	snop  }
0x7: {  	_ = 	snop  }
__scs_overlays_trampoline_lowered:
0x8: {  	[smem:$0x3FA4] =	sst s0  }
0x9: {  	[smem:$0x3FA5] =	sst s1  }
0xa: {  	[smem:$0x3FA6] =	sst s2  }
0xb: {  	[smem:$0x3FA7] =	sst s3  }
0xc: {  	[smem:$0x3FA8] =	sst s4  }
0xd: {  	[smem:$0x3FA9] =	sst s5  }
0xe: {  	[smem:$0x3FAA] =	sst s6  }
0xf: {  	[smem:$0x3FAB] =	sst s7  }
0x10: {  	[smem:$0x3FAC] =	sst s8  }
0x11: {  	[smem:$0x3FAD] =	sst s9;
	s0 =	simm.s32 @!p0 $0x0  }
0x12: {  	s1 =	sld [smem:$0x3F93];
	s0 =	simm.s32 @p0 $0x1  }
0x13: {  	[smem:$0x3FAE] =	sst s0;
	s0 =	simm.s32 @!p1 $0x0  }
0x14: {  	s2 =	sld [smem:$0x3F92];
	s0 =	simm.s32 @p1 $0x1  }
0x15: {  	[smem:$0x3FAF] =	sst s0;
	s0 =	simm.s32 @!p2 $0x0  }
0x16: {  	s3 =	sld [smem:$0x3FDB];
	s0 =	simm.s32 @p2 $0x1  }
0x17: {  	s4 =	simm.s32 $0x1BF5;
	[smem:$0x3FB1] =	sst s0  }
0x18: {  	s0 =	sld [smem:$0x3F94];
	_ =	swait.ge [sflag:s4], $0x0  }
0x19: {  	s7 =	sld [smem:$0x3F95]  }
0x1a: {  	s8 =	sadd.s32 $0xFFFFE003, lr  }
0x1b: {  	s9 =	sadd.s32 $0xFFFFFEF7, lr;
	s5 =	simm.s32 $0xFFFFFFFF;
	p2 =	slt.u32 s8, $0xFFFFF086  }
0x1c: {  	p1 =	slt.u32 s9, $0xF7A;
	s5 =	simm.s32 @!p2 $0x0  }
0x1d: {  	s5 =	simm.s32 @p1 $0x1;
	p0 =	seq.s32 s7, s2  }
0x1e: {  	s7 =	smul.u32 @!p0 $0xF7A, s2;
	p2 =	seq.s32 @!p0 s5, $0x0  }
0x1f: {  	s9 =	smul.u32 $0xF7A, s1;
	s8 =	simm.s32 @!p0 $0x1BF5;
	p2 =	por !p2, p0  }
0x20: {  	[sflag:s8] =	ssyncset.s32 @!p0 $0xFFFFF086;
	s6 =	sadd.s32 @!p0 s3, s7;
	s7 =	simm.s32 @!p0 $0x108  }
0x21: {  	s3 =	sadd.s32 s3, s9;
	s6 =	sadd.s32 @!p0 $0x88, s6;
	s7 =	simm.s32 @p2 $0x1082  }
0x22: {  	[simem:s7], [sflag:s8] =	dma.local @!p0 [hbm:s6], $0xF7A  }
0x23: {  	s9 =	sor.u32 $0xD0000000, s2;
	s6 =	simm.s32 $0x108;
	_ =	swait.ge @!p0 [sflag:s8], $0x0  }
0x24: {  	s3 =	sadd.s32 $0x88, s3;
	s6 =	simm.s32 @!p1 $0x1082;
	[sflag:s4] =	ssyncset.s32 $0xFFFFF086  }
0x25: {  	[simem:s6], [sflag:s4] =	dma.local [hbm:s3], $0xF7A  }
0x26: {  	[smem:$0x3F95] =	sst s1;
	(tag) =	ssettag s2;
	_ =	strace s9  }
0x27: {  	s1 =	sld [smem:$0x3FA5]  }
0x28: {  	s2 =	sld [smem:$0x3FA6]  }
0x29: {  	s4 =	sld [smem:$0x3FA8]  }
0x2a: {  	p0 =	seq.s32 s5, $0x0;
	s5 =	sld [smem:$0x3FA9]  }
0x2b: {  	s6 =	sld [smem:$0x3FAA]  }
0x2c: {  	s7 =	sld [smem:$0x3FAB]  }
0x2d: {  	s3 =	simm.s32 $0x108;
	s8 =	sld [smem:$0x3FAC]  }
0x2e: {  	s3 =	simm.s32 @!p0 $0x1082;
	s9 =	sld [smem:$0x3FAD]  }
0x2f: {  	lr =	sadd.s32 s0, s3;
	s0 =	sld [smem:$0x3FA4]  }
0x30: {  	s3 =	sld [smem:$0x3FA7]  }
0x31: {  	[smem:$0x3FB0] =	sst s10  }
0x32: {  	s10 =	sld [smem:$0x3FAE];
	_ =	sdelay $0x3  }
0x33: {  	p0 =	seq.s32 s10, $0x1;
	s10 =	sld [smem:$0x3FB0];
	_ =	sdelay $0x3  }
0x34: {  	[smem:$0x3FB0] =	sst s10  }
0x35: {  	s10 =	sld [smem:$0x3FAF];
	_ =	sdelay $0x3  }
0x36: {  	p1 =	seq.s32 s10, $0x1;
	s10 =	sld [smem:$0x3FB0];
	_ =	sdelay $0x3  }
0x37: {  	[smem:$0x3FB0] =	sst s10  }
0x38: {  	s10 =	sld [smem:$0x3FB1]  }
0x39: {  	_ = 	snop;
	(pc) =	sbr.ind lr, $3  }
0x3a: {  	_ = 	snop  }
0x3b: {  	_ = 	snop  }
0x3c: {  	p2 =	seq.s32 s10, $0x1;
	s10 =	sld [smem:$0x3FB0]  }
0x3d: {  	_ =	shalt  }
0x3e: {  	_ =	shalt  }
0x3f: {  	_ =	shalt  }
0x40: {  	_ =	shalt  }
0x41: {  	_ =	shalt  }
0x42: {  	_ =	shalt  }
0x43: {  	_ =	shalt  }
0x44: {  	_ =	shalt  }
0x45: {  	_ =	shalt  }
0x46: {  	_ =	shalt  }
0x47: {  	_ =	shalt  }
0x48: {  	_ =	shalt  }
0x49: {  	_ =	shalt  }
0x4a: {  	_ =	shalt  }
0x4b: {  	_ =	shalt  }
0x4c: {  	_ =	shalt  }
0x4d: {  	_ =	shalt  }
0x4e: {  	_ =	shalt  }
0x4f: {  	_ =	shalt  }
0x50: {  	_ =	shalt  }
0x51: {  	_ =	shalt  }
0x52: {  	_ =	shalt  }
0x53: {  	_ =	shalt  }
0x54: {  	_ =	shalt  }
0x55: {  	_ =	shalt  }
0x56: {  	_ =	shalt  }
0x57: {  	_ =	shalt  }
0x58: {  	_ =	shalt  }
0x59: {  	_ =	shalt  }
0x5a: {  	_ =	shalt  }
0x5b: {  	_ =	shalt  }
0x5c: {  	_ =	shalt  }
0x5d: {  	_ =	shalt  }
0x5e: {  	_ =	shalt  }
0x5f: {  	_ =	shalt  }
0x60: {  	_ =	shalt  }
0x61: {  	_ =	shalt  }
0x62: {  	_ =	shalt  }
0x63: {  	_ =	shalt  }
0x64: {  	_ =	shalt  }
0x65: {  	_ =	shalt  }
0x66: {  	_ =	shalt  }
0x67: {  	_ =	shalt  }
0x68: {  	_ =	shalt  }
0x69: {  	_ =	shalt  }
0x6a: {  	_ =	shalt  }
0x6b: {  	_ =	shalt  }
0x6c: {  	_ =	shalt  }
0x6d: {  	_ =	shalt  }
0x6e: {  	_ =	shalt  }
0x6f: {  	_ =	shalt  }
0x70: {  	_ =	shalt  }
0x71: {  	_ =	shalt  }
0x72: {  	_ =	shalt  }
0x73: {  	_ =	shalt  }
0x74: {  	_ =	shalt  }
0x75: {  	_ =	shalt  }
0x76: {  	_ =	shalt  }
0x77: {  	_ =	shalt  }
0x78: {  	_ =	shalt  }
0x79: {  	_ =	shalt  }
0x7a: {  	_ =	shalt  }
0x7b: {  	_ =	shalt  }
0x7c: {  	_ =	shalt  }
0x7d: {  	_ =	shalt  }
0x7e: {  	_ =	shalt  }
0x7f: {  	_ =	shalt  }
0x80: {  	_ =	shalt  }
0x81: {  	_ =	shalt  }
0x82: {  	_ =	shalt  }
0x83: {  	_ =	shalt  }
0x84: {  	_ =	shalt  }
0x85: {  	_ =	shalt  }
0x86: {  	_ =	shalt  }
0x87: {  	_ =	shalt  }
.Lfunc_end0:
.L_simem_size_0:
called_computation_lowered:
.L_overlay_start_0:
0x88: {  	s2 =	sld [smem:$0x3FD9]  }
0x89: {  	s3 =	sld [smem:$0x3FFE];
	_ =	sdelay $0x1  }
0x8a: {  	s1 =	srdreg.scid  }
0x8b: {  	s0 =	sand.u32 $0x1, s1  }
0x8c: {  	s16 =	sshll.u32 s0, $0xA;
	s2 =	sadd.s32 s3, s2  }
0x8d: {  	s2 =	sadd.s32 s2, s16  }
0x8e: {  	[smem:$0x3FBC] =	sst s2  }
0x8f: {  	_ = 	snop  }
0x90: {  	(tm) =	ssettm $0x1  }
0x91: {  	s17 =	sld [smem:$0x3FFB];
	_ =	sdelay $0x3  }
0x92: {  	_ =	strace s17  }
0x93: {  	s2 =	sld [smem:$0x3FFC];
	_ =	sdelay $0x3  }
0x94: {  	_ =	strace s2  }
0x95: {  	s2 =	sld [smem:$0x3FFD];
	_ =	sdelay $0x3  }
0x96: {  	_ =	strace s2  }
0x97: {  	_ =	strace $0x8FFFFFFF  }
0x98: {  	s18 =	sld [smem:$0x3FDB];
	_ =	sdelay $0x1  }
0x99: {  	s19 =	simm.s32 $_scs_section_size  }
0x9a: {  	s4 =	simm.s32 $_size__tile_overlayer_lowered;
	s5 =	simm.s32 $_tile_overlayer_lowered  }
0x9b: {  	s22 =	simm.s32 $0x1BFF;
	s21 =	sshll.u32 s5, $0x1;
	s2 =	sadd.s32 s19, s18  }
0x9c: {  	s6 =	simm.s32 $0x0;
	s20 =	sshll.u32 s4, $0x1;
	s4 =	sadd.s32 s21, s2  }
0x9d: {  	[timem:s6], [sflag:s22] =	dma.local [hbm:s4], s20  }
0x9e: {  	_ =	swait.ge [sflag:s22], s20  }
0x9f: {  	s3 =	ssub.s32 $0x0, s20;
	[sflag:s22] =	ssyncset.done $0x0  }
0xa0: {  	[sflag:s22] =	ssyncadd.s32 s3;
	_ =	sdelay $0x1  }
0xa1: {  	s23 =	simm.s32 $0x1B8B  }
0xa2: {  	_ =	swait.ge [sflag:s23], $0x1  }
0xa3: {  	[sflag:s23] =	ssyncset.done $0x0  }
0xa4: {  	s25 =	simm.s32 $0x1B8E;
	s24 =	sld [smem:$0x3FFE];
	[sflag:s23] =	ssyncadd.s32 $0xFFFFFFFF  }
0xa5: {  	s26 =	simm.s32 $execute0_lowered;
	[smem:$0x3FD2] =	sst s25  }
0xa6: {  	s4 =	sshll.u32 s26, $0x1;
	_ =	strace $0x80000046;
	[dreg:$0x1] =	wrdreg $0xFFFFFFFF  }
0xa7: {  	s28 =	simm.s32 $_size_execute0_lowered;
	s2 =	sadd.s32 s2, s4;
	[dreg:$0x0] =	wrdreg $0x0  }
0xa8: {  	s4 =	sshll.u32 s28, $0x1;
	[dreg:$0x2] =	wrdreg s2  }
0xa9: {  	[dreg:$0x3] =	wrdreg s4  }
0xaa: {  	[dreg:$0x4] =	wrdreg $0xC0  }
0xab: {  	_ =	task [dreg:s6], $0x5FFFF  }
0xac: {  	[dreg:$0x1] =	wrdreg $0xFFFFFFFF  }
0xad: {  	[dreg:$0x0] =	wrdreg $0x60  }
0xae: {  	[dreg:$0x2] =	wrdreg s24  }
0xaf: {  	[dreg:$0x3] =	wrdreg $0x9  }
0xb0: {  	_ =	task.clear_ibuf [dreg:s6], $0x4FFFF;
	_ =	strace $0x90000046  }
0xb1: {  	s29 =	simm.s32 $0x9;
	_ =	strace $0x8000004F  }
0xb2: {  	_ =	swait.ge [sflag:s29], $0x1  }
0xb3: {  	[sflag:s29] =	ssyncadd.s32 $0xFFFFFFFF  }
0xb4: {  	_ =	strace $0x9000004F  }
0xb5: {  	_ =	sfence  }
0xb6: {  	s30 =	sld [smem:$0x0];
	_ =	sdelay $0x2  }
0xb7: {  	s31 =	sshll.u32 s1, $0xD;
	s1 =	sshrl.u32 s1, $0x2  }
0xb8: {  	s3 =	sand.u32 $0x4000, s31;
	s1 =	sadd.s32 s1, s30  }
0xb9: {  	s0 =	sor.u32 s3, s0;
	s1 =	sshll.u32 s1, $0x11  }
0xba: {  	s0 =	sor.u32 s1, s0  }
0xbb: {  	s0 =	sadd.s32 $0x8F2B, s0  }
0xbc: {  	[sflag:s0] =	ssyncadd.remote.s32 $0x1  }
0xbd: {  	_ =	sfence.sel $0xFFFF  }
0xbe: {  	[dreg:$0x0] =	wrdreg $0xFFFFFFFF;
	(pc) =	sbr.abs _section_cstart, $3  }
0xbf: {  	[dreg:$0x1] =	wrdreg $0xFFFFFFFF  }
0xc0: {  	_ =	task.clear_ibuf [dreg:s6], $0x2FFFF;
	_ =	strace $0x9FFFFFFF  }
0xc1: {  	(tm) =	ssettm $0x7FFFFFFF  }
tec
execute0_lowered:
.L_overlay_start_1:
0x0: {  	(tag) =	ssettag $0x1  }
0x1: {  	s4 =	rddreg [dreg:$0x0];
	s1 =	srdreg.scid  }
0x2: {  	s0 =	rddreg [dreg:$0x1];
	s2 =	simm.s32 $0x0;
	s9 =	simm.s32 $0x1  }
0x3: {  	s10 =	simm.s32 $0x80;
	s11 =	simm.s32 $0x0;
	s5 =	sand.u32 $0x1, s1  }
0x4: {  	s1 =	stileid.u32;
	[smem:$0x7FF] =	sst s2;
	s3 =	sshll.u32 s5, $0x4  }
0x5: {  	s6 =	sadd.s32 $0x2400, s4;
	s8 =	sadd.s32 $0x2BE00, s4;
	s3 =	sor.u32 s1, s3  }
0x6: {  	_ =	strace $0x80000047;
	[dreg:$0x2] =	wrdreg s6;
	s7 =	smul.u32 $0x13, s3  }
0x7: {  	s4 =	sadd.s32 $0x29600, s4;
	[dreg:$0x4] =	wrdreg s8;
	s6 =	smul.u32 $0x14, s3  }
0x8: {  	s29 =	ssub.s32 $0x2, s5;
	p0 =	slt.u32 s3, $0x11;
	s3 =	sadd.s32 $0x11, s7  }
0x9: {  	s5 =	simm.s32 $0x14;
	[dreg:$0x3] =	wrdreg s10;
	s3 =	smov.u32 @p0 s6  }
0xa: {  	s10 =	simm.s32 $0x5;
	s31 =	sshrl.u32 s29, $0x1;
	s30 =	sshll.u32 s3, $0x4  }
0xb: {  	s8 =	ssub.s32 s29, s31;
	s5 =	simm.s32 @!p0 $0x13;
	s7 =	sand.u32 $0x1FFFFFF0, s30  }
0xc: {  	s8 =	smax.u32 s8, $0x1;
	s6 =	sadd.s32 s4, s7;
	s7 =	sadd.s32 $0xFFFFFFFF, s5  }
.LBB2_1:
0xd: {  	_ =	strace $0x80000048;
	p2 =	sne.s32 s5, $0x1  }
.Ltmp0:
0xe: {  	p0 =	seq.s32 s5, $0x1;
	s13 =	simm.s32 $0x1;
	(pc) =	sbr.rel @!p2 .LBB2_2-.Ltmp0, $4  }
0xf: {  	[tilespmem:s2], [sflag:$0x1] =	stream.linear.gather [hbm4b:s6+s2], $0x80, $0x200038;
	[tilespmem:$0x8100] =	vst v63  }
0x10: {  	s12 =	simm.s32 $0x1;
	p1 =	por $0x1, $0x1;
	s13 =	simm.s32 @p0 $0x0  }
0x11: {  	p6 =	sgt.u32 s7, $0x0;
	p4 =	por p1, p1;
	p3 =	sne.s32 s13, $0x0  }
0x12: {  	_ =	strace $0x90000048;
	p5 =	por !p6, !p3;
	p6 =	por $0x0, $0x0  }
0x13: {  	p2 =	por !p5, !p5  }
0x14: {  	s21 =	sand.u32 $0x1, s2;
	s19 =	simm.s32 $0x2;
	s14 =	sadd.s32 @p2 s3, s13  }
0x15: {  	p1 =	por p3, p3;
	s15 =	sand.u32 @p2 $0x1, s9;
	s14 =	sshll.u32 @p2 s14, $0x4  }
0x16: {  	_ =	strace @p2 $0x80000049;
	s17 =	simm.s32 @p2 $0x0;
	s14 =	sand.u32 @p2 $0x1FFFFFF0, s14  }
0x17: {  	s16 =	sshll.u32 @p2 s15, $0x7;
	s15 =	sadd.s32 @p2 $0x1, s15;
	s14 =	sadd.s32 @p2 s4, s14  }
0x18: {  	[tilespmem:s16], [sflag:s15] =	stream.linear.gather @p2 [hbm4b:s14+s17], $0x80, $0x200038;
	[tilespmem:$0x8100] =	vst v63  }
0x19: {  	s30 =	simm.s32 $0x0;
	p6 =	por $0x0, $0x0;
	_ =	strace @p2 $0x90000049  }
0x1a: {  	p0 =	sne.s32 s5, $0x2;
	s29 =	sadd.s32 $0x1, s21;
	_ =	strace $0x8000004A  }
0x1b: {  	s24 =	sadd.s32 $0x0, s3;
	p5 =	sgt.u32 s7, $0x1;
	_ =	swait.ge [sflag:s29], $0x80  }
0x1c: {  	s23 =	simm.s32 $0x1;
	s22 =	sshll.u32 s21, $0xE;
	[sflag:s29] =	ssyncset.done $0x0  }
0x1d: {  	s22 =	sor.u32 $0x100, s22;
	s16 =	sand.u32 @!p4 $0x1, s2;
	[sflag:s29] =	ssyncadd.s32 $0xFFFFFF80  }
0x1e: {  	s15 =	simm.s32 $0x1;
	s17 =	sadd.s32 $0x1, s13;
	_ =	strace $0x9000004A  }
0x1f: {  	s14 =	sand.u32 $0x80, s30;
	s15 =	simm.s32 @!p2 $0x0;
	_ =	strace $0x8000004B  }
0x20: {  	p2 =	por p4, p4;
	p4 =	por p6, p6;
	s20 =	rddreg [dreg:$0x3]  }
0x21: {  	p3 =	seq.s32 s17, s5;
	p6 =	seq.s32 s7, $0x0;
	s31 =	rddreg [dreg:$0x2]  }
0x22: {  	[tilespmem:s22], [sflag:$0x5] =	stream.indirect.gather [hbm4b:s31+s20], $0x80, s14, s20, $0x2000b8;
	[tilespmem:$0x8100] =	vst v63  }
.Ltmp1:
0x23: {  	s18 =	sadd.s32 $0x1, s15;
	s17 =	simm.s32 @p3 $0x0;
	(pc) =	sbr.rel @!p0 .LBB2_4-.Ltmp1, $4  }
0x24: {  	p1 =	por p6, p1;
	p6 =	por $0x0, $0x0;
	_ =	swait.ge [sflag:s10], $0x4000  }
0x25: {  	s15 =	simm.s32 $0x0;
	p3 =	sne.s32 s13, s17;
	[sflag:s10] =	ssyncset.done $0x0  }
0x26: {  	s23 =	simm.s32 @!p6 $0x0;
	p5 =	por !p5, !p3;
	[sflag:s10] =	ssyncadd.s32 $0xFFFFC000  }
0x27: {  	s14 =	simm.s32 $0x0;
	s20 =	simm.s32 $0x0;
	_ =	strace $0x9000004B  }
.LBB2_5:
0x28: {  	_ =	strace @p1 $0x8000004C;
	s14 =	sadd.s32 s23, s14;
	s23 =	smov.u32 s12  }
0x29: {  	s12 =	smov.u32 s19;
	s19 =	sadd.s32 $0x1, s19;
	p0 =	por p3, p3  }
0x2a: {  	s29 =	sshll.u32 @p1 s24, $0xB;
	s21 =	sadd.s32 @p1 $0x3, s21;
	s25 =	simm.s32 @!p0 $0x0  }
0x2b: {  	s26 =	rddreg [dreg:$0x4];
	s29 =	sand.u32 @p1 $0x1FFFF800, s29;
	s25 =	simm.s32 @p0 $0x1  }
0x2c: {  	s26 =	sadd.s32 @p1 s26, s29;
	s29 =	simm.s32 @p1 $0x0;
	p0 =	sne.s32 s5, s19  }
0x2d: {  	[hbm4b:s26+s29] =	stream.linear.scatter @p1 [tilespmem:s22], [sflag:s21], $0x4000, $0x200038;
	[tilespmem:$0x8100] =	vst v63  }
0x2e: {  	s21 =	sadd.s32 @!p2 $0x3, s16;
	s16 =	simm.s32 @!p0 $0x0  }
0x2f: {  	s28 =	simm.s32 $0x1;
	[smem:$0x7FC] =	sst s25;
	s16 =	simm.s32 @p0 $0x1  }
0x30: {  	s28 =	simm.s32 @!p1 $0x0;
	_ =	strace @p1 $0x9000004C;
	[smem:$0x7FD] =	sst s16  }
0x31: {  	s20 =	sadd.s32 s28, s20;
	s25 =	sand.u32 @!p4 $0x1, s14;
	_ =	strace @!p2 $0x8000004D  }
0x32: {  	p1 =	por !p5, !p5;
	s16 =	smov.u32 s25;
	_ =	swait.ge @!p2 [sflag:s21], $0x4000  }
0x33: {  	s22 =	sand.u32 @p1 $0x1, s18;
	s25 =	sadd.s32 @p1 s3, s17;
	[sflag:s21] =	ssyncset.done @!p2 $0x0  }
0x34: {  	s26 =	sshll.u32 @p1 s22, $0x7;
	s25 =	sshll.u32 @p1 s25, $0x4;
	[sflag:s21] =	ssyncadd.s32 @!p2 $0xFFFFC000  }
0x35: {  	s21 =	sadd.s32 @p1 $0x1, s22;
	s22 =	sand.u32 @p1 $0x1FFFFFF0, s25;
	_ =	strace @!p2 $0x9000004D  }
0x36: {  	s25 =	simm.s32 @p1 $0x0;
	s22 =	sadd.s32 @p1 s4, s22;
	_ =	strace @p1 $0x80000049  }
0x37: {  	[tilespmem:s26], [sflag:s21] =	stream.linear.gather @p1 [hbm4b:s22+s25], $0x80, $0x200038;
	[tilespmem:$0x8100] =	vst v63  }
0x38: {  	s15 =	sadd.s32 s28, s15;
	s28 =	sand.u32 $0x1, s20;
	_ =	strace @p1 $0x90000049  }
0x39: {  	s28 =	sadd.s32 $0x1, s28;
	_ =	strace $0x8000004A  }
0x3a: {  	_ =	swait.ge [sflag:s28], $0x80  }
0x3b: {  	[sflag:s28] =	ssyncset.done $0x0  }
0x3c: {  	s21 =	simm.s32 $0x1;
	[sflag:s28] =	ssyncadd.s32 $0xFFFFFF80  }
0x3d: {  	s21 =	simm.s32 @!p1 $0x0;
	_ =	strace $0x9000004A  }
0x3e: {  	s18 =	sadd.s32 s21, s18;
	s21 =	sand.u32 $0x1, s15;
	_ =	strace $0x8000004B  }
0x3f: {  	s31 =	sshll.u32 s20, $0x7;
	s29 =	sshll.u32 s21, $0xE;
	s25 =	rddreg [dreg:$0x3]  }
0x40: {  	s31 =	sand.u32 $0x80, s31;
	s22 =	sor.u32 $0x100, s29;
	s26 =	rddreg [dreg:$0x2]  }
0x41: {  	[tilespmem:s22], [sflag:$0x5] =	stream.indirect.gather [hbm4b:s26+s25], $0x80, s31, s25, $0x2000b8;
	[tilespmem:$0x8100] =	vst v63  }
0x42: {  	_ =	swait.ge [sflag:s10], $0x4000  }
0x43: {  	[sflag:s10] =	ssyncset.done $0x0  }
0x44: {  	[sflag:s10] =	ssyncadd.s32 $0xFFFFC000  }
0x45: {  	s30 =	sadd.s32 $0x1, s17;
	_ =	strace $0x9000004B  }
0x46: {  	s24 =	sadd.s32 s3, s13;
	s13 =	smov.u32 s17;
	s31 =	sld [smem:$0x7FD]  }
0x47: {  	p0 =	sne.s32 s23, $0x0;
	s17 =	smov.u32 s30;
	p1 =	seq.s32 s30, s5  }
0x48: {  	s17 =	simm.s32 @p1 $0x0;
	p1 =	seq.s32 s7, s23;
	s23 =	simm.s32 $0x1  }
0x49: {  	s23 =	simm.s32 @!p0 $0x0;
	p0 =	seq.s32 s31, $0x1  }
.Ltmp2:
0x4a: {  	s30 =	sld [smem:$0x7FC];
	(pc) =	sbr.rel @p0 .LBB2_5-.Ltmp2, $4  }
0x4b: {  	p3 =	seq.s32 s12, $0x0  }
0x4c: {  	p6 =	por p3, p3;
	p5 =	slt.u32 s12, s7  }
0x4d: {  	p2 =	por p4, p4;
	p3 =	sne.s32 s13, s17;
	p4 =	seq.s32 s30, $0x1  }
0x4e: {  	p5 =	por !p5, !p3;
	p1 =	por p1, p4;
	p4 =	por p6, p6  }
0x4f: {  	p6 =	por $0x1, $0x1  }
.LBB2_7:
0x50: {  	p0 =	por !p1, !p6  }
0x51: {  	s25 =	simm.s32 $0x1;
	_ =	strace @!p0 $0x8000004C;
	s24 =	sshll.u32 @!p0 s24, $0xB  }
0x52: {  	p2 =	por p2, !p6;
	s19 =	rddreg [dreg:$0x4];
	s24 =	sand.u32 @!p0 $0x1FFFF800, s24  }
0x53: {  	s21 =	sadd.s32 @!p0 $0x3, s21;
	s19 =	sadd.s32 @!p0 s19, s24;
	s24 =	simm.s32 @!p0 $0x0  }
0x54: {  	[hbm4b:s19+s24] =	stream.linear.scatter @!p0 [tilespmem:s22], [sflag:s21], $0x4000, $0x200038;
	[tilespmem:$0x8100] =	vst v63  }
0x55: {  	p1 =	por !p5, !p5;
	s25 =	simm.s32 @p0 $0x0;
	_ =	strace @!p0 $0x9000004C  }
0x56: {  	s16 =	sadd.s32 @!p2 $0x3, s16;
	s17 =	sadd.s32 @p1 s3, s17;
	_ =	strace @!p2 $0x8000004D  }
0x57: {  	s18 =	sand.u32 @p1 $0x1, s18;
	s17 =	sshll.u32 @p1 s17, $0x4;
	_ =	swait.ge @!p2 [sflag:s16], $0x4000  }
0x58: {  	s17 =	sand.u32 @p1 $0x1FFFFFF0, s17;
	s19 =	sadd.s32 @p6 s25, s20;
	[sflag:s16] =	ssyncset.done @!p2 $0x0  }
0x59: {  	s20 =	simm.s32 $0x0;
	s17 =	sadd.s32 @p1 s4, s17;
	[sflag:s16] =	ssyncadd.s32 @!p2 $0xFFFFC000  }
0x5a: {  	s20 =	smov.u32 @p6 s19;
	s19 =	sshll.u32 @p1 s18, $0x7;
	_ =	strace @!p2 $0x9000004D  }
0x5b: {  	s16 =	sadd.s32 @p1 $0x1, s18;
	s18 =	simm.s32 @p1 $0x0;
	_ =	strace @p1 $0x80000049  }
0x5c: {  	[tilespmem:s19], [sflag:s16] =	stream.linear.gather @p1 [hbm4b:s17+s18], $0x80, $0x200038;
	[tilespmem:$0x8100] =	vst v63  }
0x5d: {  	s26 =	sand.u32 $0x1, s20;
	_ =	strace @p1 $0x90000049  }
0x5e: {  	s16 =	sadd.s32 $0x1, s26;
	_ =	strace $0x8000004A  }
0x5f: {  	_ =	swait.ge [sflag:s16], $0x80  }
0x60: {  	[sflag:s16] =	ssyncset.done $0x0  }
0x61: {  	s15 =	sadd.s32 @p6 s25, s15;
	[sflag:s16] =	ssyncadd.s32 $0xFFFFFF80;
	s16 =	simm.s32 $0x0  }
0x62: {  	_ =	strace $0x9000004A;
	s16 =	smov.u32 @p6 s15  }
0x63: {  	_ =	strace $0x8000004B;
	s16 =	sand.u32 $0x1, s16  }
0x64: {  	s30 =	sshll.u32 s20, $0x7;
	s28 =	rddreg [dreg:$0x3];
	s31 =	sshll.u32 s16, $0xE  }
0x65: {  	s18 =	sand.u32 $0x80, s30;
	s29 =	rddreg [dreg:$0x2];
	s19 =	sor.u32 $0x100, s31  }
0x66: {  	[tilespmem:s19], [sflag:$0x5] =	stream.indirect.gather [hbm4b:s29+s28], $0x80, s18, s28, $0x2000b8;
	[tilespmem:$0x8100] =	vst v63  }
0x67: {  	_ =	swait.ge [sflag:s10], $0x4000  }
0x68: {  	p3 =	por p3, p3;
	[sflag:s10] =	ssyncset.done $0x0  }
0x69: {  	p5 =	seq.s32 s7, s12;
	s13 =	sadd.s32 s3, s13;
	[sflag:s10] =	ssyncadd.s32 $0xFFFFC000  }
0x6a: {  	s14 =	sadd.s32 @p6 s23, s14;
	p1 =	por p5, p3;
	_ =	strace $0x9000004B  }
0x6b: {  	s17 =	simm.s32 $0x0;
	s13 =	sshll.u32 @p1 s13, $0xB;
	_ =	strace @p1 $0x8000004C  }
0x6c: {  	s17 =	smov.u32 @p6 s14;
	s13 =	sand.u32 @p1 $0x1FFFF800, s13;
	s15 =	rddreg [dreg:$0x4]  }
0x6d: {  	s14 =	sadd.s32 @p1 $0x3, s16;
	s13 =	sadd.s32 @p1 s15, s13;
	s15 =	simm.s32 @p1 $0x0  }
0x6e: {  	[hbm4b:s13+s15] =	stream.linear.scatter @p1 [tilespmem:s19], [sflag:s14], $0x4000, $0x200038;
	[tilespmem:$0x8100] =	vst v63  }
0x6f: {  	p0 =	por p4, p4;
	s13 =	sand.u32 @!p4 $0x1, s17;
	_ =	strace @p1 $0x9000004C  }
0x70: {  	s13 =	sadd.s32 @!p0 $0x3, s13;
	_ =	strace @!p0 $0x8000004D  }
0x71: {  	p1 =	sne.s32 s12, $0x0;
	s12 =	simm.s32 $0x1;
	_ =	swait.ge @!p0 [sflag:s13], $0x4000  }
0x72: {  	s12 =	simm.s32 @!p1 $0x0;
	[sflag:s13] =	ssyncset.done @!p0 $0x0  }
0x73: {  	s11 =	sadd.s32 $0x1, s11;
	s12 =	sadd.s32 s12, s17;
	[sflag:s13] =	ssyncadd.s32 @!p0 $0xFFFFC000  }
0x74: {  	s12 =	sand.u32 $0x1, s12;
	_ =	strace @!p0 $0x9000004D;
	p0 =	sne.s32 s11, s8  }
.Ltmp3:
0x75: {  	s12 =	sadd.s32 $0x3, s12;
	_ =	strace $0x8000004E;
	(pc) =	sbr.rel @p0 .LBB2_1-.Ltmp3, $4  }
.Ltmp4:
0x76: {  	_ =	swait.ge [sflag:s12], $0x4000;
	(pc) =	sbr.rel @!p0 .LBB2_8-.Ltmp4, $4  }
0x77: {  	[sflag:s12] =	ssyncset.done $0x0  }
0x78: {  	[sflag:s12] =	ssyncadd.s32 $0xFFFFC000  }
0x79: {  	_ =	strace $0x9000004E  }
0x7a: {  	_ = 	snop  }
.LBB2_2:
.Ltmp5:
0x7b: {  	(pc) =	sbr.rel .LBB2_7-.Ltmp5, $4  }
0x7c: {  	_ = 	snop  }
0x7d: {  	s14 =	simm.s32 $0x0  }
0x7e: {  	s12 =	simm.s32 $0x0;
	s15 =	simm.s32 $0x0;
	s17 =	smov.u32 s13  }
0x7f: {  	s20 =	simm.s32 $0x0;
	s18 =	simm.s32 $0x1;
	s13 =	simm.s32 $0x0  }
.LBB2_4:
.Ltmp6:
0x80: {  	(pc) =	sbr.rel .LBB2_7-.Ltmp6, $3  }
0x81: {  	_ =	sdelay $0x1  }
0x82: {  	s14 =	simm.s32 $0x0  }
0x83: {  	s15 =	simm.s32 $0x0;
	s20 =	simm.s32 $0x0;
	p6 =	por $0x1, $0x1  }
.LBB2_8:
0x84: {  	_ =	sfence.sel $0x180000  }
0x85: {  	[bflag:$0x0] =	sbarrier.arrive $0xFFFF  }
0x86: {  	p0 =	sne.s32 s1, $0x0;
	_ =	strace $0x90000047  }
0x87: {  	s0 =	sadd.s32 @!p0 $0x100000, s0;
	[bflag:$0x2] =	sbarrier.arrive $0xFFFF  }
0x88: {  	[sflag:s0] =	ssyncadd.tile.s32 @!p0 $0x1;
	_ =	shalt  }
.Lfunc_end2:
_tile_overlayer_lowered:
.L_overlay_start_2:
0x89: {  	(tag) =	ssettag $0x2  }
0x8a: {  	s0 =	rddreg [dreg:$0x0];
	s2 =	stileid.u32  }
0x8b: {  	s1 =	rddreg [dreg:$0x1];
	p0 =	sne.s32 s2, $0x0  }
0x8c: {  	s3 =	rddreg [dreg:$0x2];
	[bflag:$0x3] =	sbarrier.arrive $0xFFFF;
	s2 =	simm.s32 @!p0 $0x1C01  }
0x8d: {  	[timem:s3], [sflag:s2] =	dma.local @!p0 [hbm:s0], s1  }
0x8e: {  	s0 =	simm.s32 @!p0 $0x1  }
0x8f: {  	_ =	swait.ge @!p0 [sflag:s0], s1  }
0x90: {  	s1 =	ssub.s32 @!p0 $0x0, s1;
	[sflag:s0] =	ssyncset.done @!p0 $0x0  }
0x91: {  	[sflag:s0] =	ssyncadd.s32 @!p0 s1  }
0x92: {  	[bflag:$0x3] =	sbarrier.arrive $0xFFFF  }
0x93: {  	_ =	shalt  }

</sc_bundles>
